<compile_context>
chip_gen: v7x
topology: tpu7x:2x2x1
jax: 0.10.2.dev20260603
libtpu: 0.0.44.dev20260713+nightly
codegen_flags: <defaults>
</compile_context>

<pallas_src>
import functools

import jax
import jax.numpy as jnp
from jax import lax
from jax.experimental import pallas as pl
from jax.experimental.pallas import tpu as pltpu
from jax.experimental.pallas import tpu_sc as plsc

_CHANNELS = 128
_NUM_LAYERS = 12
_MIN_RATIO = 0.2
_N_NODES = 100000
_N_EDGES = 3200000
_B = 128

_HIST = 102400
_CH_ROWS = 8
_CHUNK = _CH_ROWS * 128
_N_WORKERS = 32
_CHUNKS_PER_W = 98
_PAIRS = _CHUNKS_PER_W // 2
_EPAD = _N_WORKERS * _CHUNKS_PER_W * _CHUNK

_NB = 20
_BLK = _N_NODES // _NB

_HP = lax.Precision.HIGHEST


def _deg_body(edges_hbm, zeros_hbm, ones_hbm, out_hbm, idx0, idx1, ones_v,
              hist_sh, gsem0, gsem1, ssem):
    c = lax.axis_index("c")
    s = lax.axis_index("s")
    wid = s * 2 + c
    base = wid * _CHUNKS_PER_W
    pltpu.sync_copy(zeros_hbm.at[pl.ds(s * 6400, 6400)],
                    hist_sh.at[pl.ds(s * 6400, 6400)])
    pltpu.sync_copy(ones_hbm, ones_v)
    plsc.subcore_barrier()
    pltpu.sync_copy(edges_hbm.at[base], idx0)

    def body(jj, carry):
        sc0 = [pltpu.async_copy(ones_v.at[r], hist_sh.at[idx0.at[r]], ssem,
                                add=True) for r in range(_CH_ROWS)]
        g1 = pltpu.async_copy(edges_hbm.at[base + 2 * jj + 1], idx1, gsem1)
        for d in sc0:
            d.wait()
        g1.wait()
        sc1 = [pltpu.async_copy(ones_v.at[r], hist_sh.at[idx1.at[r]], ssem,
                                add=True) for r in range(_CH_ROWS)]

        @pl.when(jj < _PAIRS - 1)
        def _():
            pltpu.async_copy(edges_hbm.at[base + 2 * jj + 2], idx0, gsem0)

        for d in sc1:
            d.wait()

        @pl.when(jj < _PAIRS - 1)
        def _():
            pltpu.make_async_copy(edges_hbm.at[base], idx0, gsem0).wait()

        return carry

    lax.fori_loop(0, _PAIRS, body, 0)
    plsc.subcore_barrier()
    pltpu.sync_copy(hist_sh.at[pl.ds(s * 6400, 6400)],
                    out_hbm.at[c, pl.ds(s * 6400, 6400)])


def _deg_kernel(edges3, zeros, ones):
    return functools.partial(
        pl.kernel,
        out_type=jax.ShapeDtypeStruct((2, _HIST), jnp.float32),
        mesh=plsc.VectorSubcoreMesh(core_axis_name="c", subcore_axis_name="s"),
        scratch_types=[
            pltpu.VMEM((_CH_ROWS, 128), jnp.int32),
            pltpu.VMEM((_CH_ROWS, 128), jnp.int32),
            pltpu.VMEM((_CH_ROWS, 128), jnp.float32),
            pltpu.VMEM_SHARED((_HIST,), jnp.float32),
            pltpu.SemaphoreType.DMA,
            pltpu.SemaphoreType.DMA,
            pltpu.SemaphoreType.DMA,
        ],
    )(_deg_body)(edges3, zeros, ones)


def _gsum_body(deg4_hbm, batchg_hbm, zeros_hbm, out_hbm, d0v, d1v, dv, sv,
               gi, accd_sh, accs_sh):
    c = lax.axis_index("c")
    s = lax.axis_index("s")
    wid = s * 2 + c

    @pl.when(s == 0)
    def _():
        pltpu.sync_copy(zeros_hbm.at[pl.ds(0, 256)], accd_sh)
        pltpu.sync_copy(zeros_hbm.at[pl.ds(0, 256)], accs_sh)

    pltpu.sync_copy(deg4_hbm.at[0, wid], d0v)
    pltpu.sync_copy(deg4_hbm.at[1, wid], d1v)
    pltpu.sync_copy(batchg_hbm.at[wid], gi)

    def compute(r, carry):
        for k in range(8):
            sl = pl.ds(k * 16, 16)
            v = d0v[r, sl] + d1v[r, sl]
            dv[r, sl] = v
            sv[r, sl] = v * v
        return carry

    lax.fori_loop(0, 25, compute, 0)
    plsc.subcore_barrier()

    def scatter(r, carry):
        pltpu.sync_copy(dv.at[r], accd_sh.at[gi.at[r]], add=True)
        pltpu.sync_copy(sv.at[r], accs_sh.at[gi.at[r]], add=True)
        return carry

    lax.fori_loop(0, 25, scatter, 0)
    plsc.subcore_barrier()

    @pl.when(s == 0)
    def _():
        pltpu.sync_copy(accd_sh.at[pl.ds(0, 128)], out_hbm.at[2 * c])
        pltpu.sync_copy(accs_sh.at[pl.ds(0, 128)], out_hbm.at[2 * c + 1])


def _gsum_kernel(deg4, batchg, zeros):
    return functools.partial(
        pl.kernel,
        out_type=jax.ShapeDtypeStruct((4, 128), jnp.float32),
        mesh=plsc.VectorSubcoreMesh(core_axis_name="c", subcore_axis_name="s"),
        scratch_types=[
            pltpu.VMEM((25, 128), jnp.float32),
            pltpu.VMEM((25, 128), jnp.float32),
            pltpu.VMEM((25, 128), jnp.float32),
            pltpu.VMEM((25, 128), jnp.float32),
            pltpu.VMEM((25, 128), jnp.int32),
            pltpu.VMEM_SHARED((256,), jnp.float32),
            pltpu.VMEM_SHARED((256,), jnp.float32),
        ],
    )(_gsum_body)(deg4, batchg, zeros)


def _mask_t(batch_row):
    return (lax.broadcasted_iota(jnp.int32, (_B, _BLK), 0) == batch_row
            ).astype(jnp.float32)


def _pool_body(batch_ref, emb_ref, acc_ref):
    i = pl.program_id(0)

    @pl.when(i == 0)
    def _():
        acc_ref[...] = jnp.zeros_like(acc_ref)

    mt = _mask_t(batch_ref[0, 0, :][None, :])
    pooled = lax.dot_general(mt, emb_ref[...], (((1,), (0,)), ((), ())),
                             preferred_element_type=jnp.float32,
                             precision=_HP)
    cnt = lax.dot_general(mt, jnp.ones((_BLK, 8), jnp.float32),
                          (((1,), (0,)), ((), ())),
                          preferred_element_type=jnp.float32, precision=_HP)
    acc_ref[...] += jnp.concatenate([pooled, cnt], axis=1)


def _pool_call(batch3, emb, lo, n):
    return pl.pallas_call(
        _pool_body,
        grid=(n,),
        in_specs=[
            pl.BlockSpec((1, 1, _BLK), lambda i: (i + lo, 0, 0)),
            pl.BlockSpec((_BLK, _CHANNELS), lambda i: (i + lo, 0)),
        ],
        out_specs=pl.BlockSpec((_B, _CHANNELS + 8), lambda i: (0, 0)),
        out_shape=jax.ShapeDtypeStruct((_B, _CHANNELS + 8), jnp.float32),
    )(batch3, emb)


def _head_body(gsum_ref, pool1_ref, pool2_ref, W1_ref, b1_ref, W2_ref,
               b2_ref, Wt_ref, bt_ref, Wl_ref, bl_ref, tr_ref, lg_ref):
    sdeg = gsum_ref[0, :] + gsum_ref[2, :]
    sdeg2 = gsum_ref[1, :] + gsum_ref[3, :]
    pool = pool1_ref[...] + pool2_ref[...]
    pooled_sum = pool[:, :_CHANNELS]
    n = pool[:, _CHANNELS]
    counts = jnp.maximum(n, 1.0)
    log_n = jnp.log(n + 1.0)
    log_e = jnp.log(0.5 * sdeg + 1.0)
    density = sdeg / (n * (n - 1.0) + 1e-08)
    avg_deg = sdeg / counts
    deg_var = jnp.clip(sdeg2 / counts - avg_deg * avg_deg, 0.0, None)
    pooled = pooled_sum / counts[:, None]
    feats = jnp.concatenate(
        [log_n[:, None], log_e[:, None], density[:, None],
         avg_deg[:, None], deg_var[:, None], pooled], axis=1)
    mm = functools.partial(jnp.matmul, precision=_HP)
    h = jnp.maximum(mm(feats, W1_ref[...]) + b1_ref[...], 0.0)
    h = jnp.maximum(mm(h, W2_ref[...]) + b2_ref[...], 0.0)
    sig_t = 1.0 / (1.0 + jnp.exp(-(mm(h, Wt_ref[...]) + bt_ref[...])))
    sig_l = 1.0 / (1.0 + jnp.exp(-(mm(h, Wl_ref[...]) + bl_ref[...])))
    tr_ref[...] = _MIN_RATIO + (1.0 - _MIN_RATIO) * sig_t
    lg_ref[...] = sig_l


def _full(shape):
    return pl.BlockSpec(shape, lambda: tuple(0 for _ in shape))


def _head_call(gsum, pool1, pool2, W1, b1, W2, b2, Wt, bt, Wl, bl):
    return pl.pallas_call(
        _head_body,
        in_specs=[
            _full(gsum.shape),
            _full(pool1.shape),
            _full(pool2.shape),
            _full(W1.shape), _full(b1.shape),
            _full(W2.shape), _full(b2.shape),
            _full(Wt.shape), _full(bt.shape),
            _full(Wl.shape), _full(bl.shape),
        ],
        out_specs=[
            _full((_B, _NUM_LAYERS)),
            _full((_B, _NUM_LAYERS)),
        ],
        out_shape=[
            jax.ShapeDtypeStruct((_B, _NUM_LAYERS), jnp.float32),
            jax.ShapeDtypeStruct((_B, _NUM_LAYERS), jnp.float32),
        ],
    )(gsum, pool1, pool2, W1, b1, W2, b2, Wt, bt, Wl, bl)


def kernel(x, edge_index, batch, node_emb, W1, b1, W2, b2, Wt, bt, Wl, bl):
    src = edge_index[0].astype(jnp.int32)
    src = jnp.concatenate(
        [src, jnp.full((_EPAD - _N_EDGES,), _N_NODES, jnp.int32)])
    edges3 = src.reshape(_N_WORKERS * _CHUNKS_PER_W, _CH_ROWS, 128)
    zeros = jnp.zeros((_HIST,), jnp.float32)
    ones = jnp.ones((_CH_ROWS, 128), jnp.float32)

    deg2 = _deg_kernel(edges3, zeros, ones)

    bi = batch.astype(jnp.int32)
    batch3 = bi.reshape(_NB, 1, _BLK)
    pool1 = _pool_call(batch3, node_emb, 0, 17)

    batchg = jnp.concatenate(
        [bi, jnp.full((_HIST - _N_NODES,), 255, jnp.int32)]
    ).reshape(_N_WORKERS, 25, 128)
    depp = (pool1[0, 0] * 0.0).astype(jnp.int32)
    deg4 = deg2.reshape(2, _N_WORKERS, 25, 128)
    gsum = _gsum_kernel(deg4, batchg + depp, zeros)

    dep = (deg2[0, 0] * 0.0).astype(jnp.int32)
    batch3b = batch3 + dep
    pool2 = _pool_call(batch3b, node_emb, 17, 3)

    token_ratios, layer_gates = _head_call(
        gsum, pool1, pool2,
        W1, b1.reshape(1, -1), W2, b2.reshape(1, -1),
        Wt, bt.reshape(1, -1), Wl, bl.reshape(1, -1))
    return (token_ratios, layer_gates)

# --- scband reference (transcript-rebuilt; emitter-appended) ---
"""Pipeline reference for scband-budget-net-74560632258943 (READ-ONLY COPY).

The authoritative reference and input builder live on the scoring server;
editing this copy changes nothing except your own understanding.
"""

import jax, jax.numpy as jnp
import numpy as np

CHANNELS = 128
NUM_LAYERS = 12
HIDDEN = 64
MIN_RATIO = 0.2
N_NODES = 100000
N_EDGES = 3200000
N_GRAPHS = 128


def setup_inputs(seed: int = 0) -> dict:
    key = jax.random.key(seed)
    ks = jax.random.split(key, 12)
    x = jax.random.normal(ks[0], (N_NODES, CHANNELS), dtype=jnp.float32)
    edge_index = jax.random.randint(ks[1], (2, N_EDGES), 0, N_NODES, dtype=jnp.int64)
    batch = jnp.sort(jax.random.randint(ks[2], (N_NODES,), 0, N_GRAPHS, dtype=jnp.int64))
    node_emb = jax.random.normal(ks[3], (N_NODES, CHANNELS), dtype=jnp.float32)
    input_dim = 5 + CHANNELS
    s1 = 1.0 / np.sqrt(input_dim)
    s2 = 1.0 / np.sqrt(HIDDEN)
    W1 = jax.random.uniform(ks[4], (input_dim, HIDDEN), jnp.float32, -s1, s1)
    b1 = jax.random.uniform(ks[5], (HIDDEN,), jnp.float32, -s1, s1)
    W2 = jax.random.uniform(ks[6], (HIDDEN, HIDDEN), jnp.float32, -s2, s2)
    b2 = jax.random.uniform(ks[7], (HIDDEN,), jnp.float32, -s2, s2)
    Wt = jax.random.uniform(ks[8], (HIDDEN, NUM_LAYERS), jnp.float32, -s2, s2)
    bt = jax.random.uniform(ks[9], (NUM_LAYERS,), jnp.float32, -s2, s2)
    Wl = jax.random.uniform(ks[10], (HIDDEN, NUM_LAYERS), jnp.float32, -s2, s2)
    bl = jax.random.uniform(ks[11], (NUM_LAYERS,), jnp.float32, -s2, s2)
    return {"x": x, "edge_index": edge_index, "batch": batch, "node_emb": node_emb,
            "W1": W1, "b1": b1, "W2": W2, "b2": b2, "Wt": Wt, "bt": bt, "Wl": Wl, "bl": bl}


def reference(x, edge_index, batch, node_emb, W1, b1, W2, b2, Wt, bt, Wl, bl):
    B = N_GRAPHS
    n_nodes = x.shape[0]
    # per-graph node counts via scatter-add
    N = jnp.zeros((B,), dtype=jnp.float32).at[batch].add(jnp.ones((n_nodes,), dtype=jnp.float32))
    # per-graph edge counts
    edge_graph = batch[edge_index[0]]
    E = jnp.zeros((B,), dtype=jnp.float32).at[edge_graph].add(
        jnp.ones((edge_index.shape[1],), dtype=jnp.float32)) / 2.0
    log_N = jnp.log(N + 1.0)[:, None]
    log_E = jnp.log(E + 1.0)[:, None]
    density = (2.0 * E / (N * (N - 1.0) + 1e-08))[:, None]
    # node degrees (out-degree of edge_index[0])
    deg = jnp.zeros((n_nodes,), dtype=jnp.float32).at[edge_index[0]].add(1.0)
    counts = jnp.maximum(N, 1.0)
    avg_deg = (jnp.zeros((B,), dtype=jnp.float32).at[batch].add(deg) / counts)[:, None]
    deg_sq = (jnp.zeros((B,), dtype=jnp.float32).at[batch].add(deg ** 2) / counts)[:, None]
    deg_var = jnp.clip(deg_sq - avg_deg ** 2, 0.0, None)
    # global mean pool of node embeddings
    pooled = jnp.zeros((B, node_emb.shape[1]), dtype=jnp.float32).at[batch].add(node_emb) / counts[:, None]
    feats = jnp.concatenate([log_N, log_E, density, avg_deg, deg_var, pooled], axis=-1)
    h = jax.nn.relu(feats @ W1 + b1)
    h = jax.nn.relu(h @ W2 + b2)
    raw_tok = jax.nn.sigmoid(h @ Wt + bt)
    token_ratios = MIN_RATIO + (1.0 - MIN_RATIO) * raw_tok
    layer_gates = jax.nn.sigmoid(h @ Wl + bl)
    return (token_ratios, layer_gates)

if __name__ == "__main__":
    import jax
    _d = setup_inputs()
    print(jax.jit(kernel)(*tuple(_d.values())))

</pallas_src>

<mosaic_0001>
#map = affine_map<(d0, d1) -> (0, 0, 0)>
#map1 = affine_map<(d0, d1) -> (0)>
#map2 = affine_map<(d0, d1) -> (0, 0)>
module attributes {stable_mosaic.version = 14 : i64} {
  func.func @_deg_body(%arg0: i32, %arg1: i32, %arg2: memref<3136x8x128xi32, #tpu.memory_space<hbm>>, %arg3: memref<102400xf32, #tpu.memory_space<hbm>>, %arg4: memref<8x128xf32, #tpu.memory_space<hbm>>, %arg5: memref<2x102400xf32, #tpu.memory_space<hbm>>, %arg6: memref<8x128xi32, #tpu.memory_space<vmem>>, %arg7: memref<8x128xi32, #tpu.memory_space<vmem>>, %arg8: memref<8x128xf32, #tpu.memory_space<vmem>>, %arg9: memref<102400xf32, #tpu.memory_space<vmem_shared>>, %arg10: memref<!tpu.dma_semaphore, #tpu.memory_space<semaphore_mem>>, %arg11: memref<!tpu.dma_semaphore, #tpu.memory_space<semaphore_mem>>, %arg12: memref<!tpu.dma_semaphore, #tpu.memory_space<semaphore_mem>>) attributes {dimension_semantics = [#tpu.dimension_semantics<core_parallel>, #tpu.dimension_semantics<subcore_parallel>], iteration_bounds = array<i64: 2, 16>, scalar_prefetch = 0 : i64, scratch_operands = 7 : i64, tpu.core_type = #tpu.core_type<sc_vector_subcore>, window_params = [{transform_indices = #map}, {transform_indices = #map1}, {transform_indices = #map2}, {transform_indices = #map2}]} {
    %mul3A = arith.constant 2 : i32
    %mul3A_0 = arith.muli %arg1, %mul3A : i32
    %add3A = arith.addi %mul3A_0, %arg0 : i32
    %mul3A_1 = arith.constant 98 : i32
    %mul3A_2 = arith.muli %add3A, %mul3A_1 : i32
    %mul3A_3 = arith.constant 6400 : i32
    %mul3A_4 = arith.muli %arg1, %mul3A_3 : i32
    %mul3A_5 = arith.constant 6400 : i32
    %mul3A_6 = arith.muli %arg1, %mul3A_5 : i32
    "tpu.region"() ({
      %run_scoped3A = tpu.sem_alloc : memref<!tpu.dma_semaphore, #tpu.memory_space<semaphore_mem>>
      %dma_start3A = tpu.memref_slice %arg9[%mul3A_6] : memref<102400xf32, #tpu.memory_space<vmem_shared>> -> memref<6400xf32, #tpu.memory_space<vmem_shared>>
      %dma_start3A_17 = tpu.memref_slice %arg3[%mul3A_4] : memref<102400xf32, #tpu.memory_space<hbm>> -> memref<6400xf32, #tpu.memory_space<hbm>>
      tpu.enqueue_dma source(%dma_start3A_17 : memref<6400xf32, #tpu.memory_space<hbm>>) target(%dma_start3A : memref<6400xf32, #tpu.memory_space<vmem_shared>>) target_semaphore(%run_scoped3A : memref<!tpu.dma_semaphore, #tpu.memory_space<semaphore_mem>>)
      %dma_wait3A = tpu.memref_slice %arg9[%mul3A_6] : memref<102400xf32, #tpu.memory_space<vmem_shared>> -> memref<6400xf32, #tpu.memory_space<vmem_shared>>
      %dma_wait3A_18 = tpu.memref_slice %arg3[%mul3A_4] : memref<102400xf32, #tpu.memory_space<hbm>> -> memref<6400xf32, #tpu.memory_space<hbm>>
      tpu.wait_dma2 semaphore(%run_scoped3A : memref<!tpu.dma_semaphore, #tpu.memory_space<semaphore_mem>>) src(%dma_wait3A_18 : memref<6400xf32, #tpu.memory_space<hbm>>) dst(%dma_wait3A : memref<6400xf32, #tpu.memory_space<vmem_shared>>)
      tpu.yield
    }) : () -> ()
    "tpu.region"() ({
      %run_scoped3A = tpu.sem_alloc : memref<!tpu.dma_semaphore, #tpu.memory_space<semaphore_mem>>
      tpu.enqueue_dma source(%arg4 : memref<8x128xf32, #tpu.memory_space<hbm>>) target(%arg8 : memref<8x128xf32, #tpu.memory_space<vmem>>) target_semaphore(%run_scoped3A : memref<!tpu.dma_semaphore, #tpu.memory_space<semaphore_mem>>)
      tpu.wait_dma2 semaphore(%run_scoped3A : memref<!tpu.dma_semaphore, #tpu.memory_space<semaphore_mem>>) src(%arg4 : memref<8x128xf32, #tpu.memory_space<hbm>>) dst(%arg8 : memref<8x128xf32, #tpu.memory_space<vmem>>)
      tpu.yield
    }) : () -> ()
    %barrier3A = arith.constant 0 : index
    tpu.barrier barrier_id(%barrier3A)
    "tpu.region"() ({
      %run_scoped3A = tpu.sem_alloc : memref<!tpu.dma_semaphore, #tpu.memory_space<semaphore_mem>>
      %dma_start3A = arith.constant 0 : i32
      %dma_start3A_17 = arith.constant 0 : i32
      %dma_start3A_18 = tpu.memref_slice %arg2[%mul3A_2, %dma_start3A, %dma_start3A_17] : memref<3136x8x128xi32, #tpu.memory_space<hbm>> -> memref<1x8x128xi32, #tpu.memory_space<hbm>>
      %dma_start3A_19 = tpu.memref_squeeze %dma_start3A_18 : memref<1x8x128xi32, #tpu.memory_space<hbm>> -> memref<8x128xi32, #tpu.memory_space<hbm>>
      %dma_start3A_20 = arith.constant 0 : i32
      %dma_start3A_21 = arith.constant 0 : i32
      %dma_start3A_22 = tpu.memref_slice %arg2[%mul3A_2, %dma_start3A_20, %dma_start3A_21] : memref<3136x8x128xi32, #tpu.memory_space<hbm>> -> memref<1x8x128xi32, #tpu.memory_space<hbm>>
      %dma_start3A_23 = tpu.memref_squeeze %dma_start3A_22 : memref<1x8x128xi32, #tpu.memory_space<hbm>> -> memref<8x128xi32, #tpu.memory_space<hbm>>
      tpu.enqueue_dma source(%dma_start3A_23 : memref<8x128xi32, #tpu.memory_space<hbm>>) target(%arg6 : memref<8x128xi32, #tpu.memory_space<vmem>>) target_semaphore(%run_scoped3A : memref<!tpu.dma_semaphore, #tpu.memory_space<semaphore_mem>>)
      %dma_wait3A = arith.constant 0 : i32
      %dma_wait3A_24 = arith.constant 0 : i32
      %dma_wait3A_25 = tpu.memref_slice %arg2[%mul3A_2, %dma_wait3A, %dma_wait3A_24] : memref<3136x8x128xi32, #tpu.memory_space<hbm>> -> memref<1x8x128xi32, #tpu.memory_space<hbm>>
      %dma_wait3A_26 = tpu.memref_squeeze %dma_wait3A_25 : memref<1x8x128xi32, #tpu.memory_space<hbm>> -> memref<8x128xi32, #tpu.memory_space<hbm>>
      %dma_wait3A_27 = arith.constant 0 : i32
      %dma_wait3A_28 = arith.constant 0 : i32
      %dma_wait3A_29 = tpu.memref_slice %arg2[%mul3A_2, %dma_wait3A_27, %dma_wait3A_28] : memref<3136x8x128xi32, #tpu.memory_space<hbm>> -> memref<1x8x128xi32, #tpu.memory_space<hbm>>
      %dma_wait3A_30 = tpu.memref_squeeze %dma_wait3A_29 : memref<1x8x128xi32, #tpu.memory_space<hbm>> -> memref<8x128xi32, #tpu.memory_space<hbm>>
      tpu.wait_dma2 semaphore(%run_scoped3A : memref<!tpu.dma_semaphore, #tpu.memory_space<semaphore_mem>>) src(%dma_wait3A_30 : memref<8x128xi32, #tpu.memory_space<hbm>>) dst(%arg6 : memref<8x128xi32, #tpu.memory_space<vmem>>)
      tpu.yield
    }) : () -> ()
    %scan3A = arith.constant 0 : i32
    %scan3A_7 = arith.constant 0 : i32
    %scan3A_8 = arith.constant 49 : i32
    %scan3A_9 = arith.addi %scan3A_7, %scan3A_8 : i32
    %scan3A_10 = arith.constant 1 : i32
    scf.for %scan3A_17 = %scan3A_7 to %scan3A_9 step %scan3A_10  : i32 {
      %dma_start3A = arith.constant 0 : i32
      %dma_start3A_18 = arith.constant 0 : i32
      %dma_start3A_19 = arith.constant 0 : i32
      %dma_start3A_20 = tpu.memref_slice %arg8[%dma_start3A, %dma_start3A_19] : memref<8x128xf32, #tpu.memory_space<vmem>> -> memref<1x128xf32, #tpu.memory_space<vmem>>
      %dma_start3A_21 = tpu.memref_squeeze %dma_start3A_20 : memref<1x128xf32, #tpu.memory_space<vmem>> -> memref<128xf32, #tpu.memory_space<vmem>>
      %dma_start3A_22 = arith.constant 0 : i32
      %dma_start3A_23 = tpu.memref_slice %arg6[%dma_start3A_18, %dma_start3A_22] : memref<8x128xi32, #tpu.memory_space<vmem>> -> memref<1x128xi32, #tpu.memory_space<vmem>>
      %dma_start3A_24 = tpu.memref_squeeze %dma_start3A_23 : memref<1x128xi32, #tpu.memory_space<vmem>> -> memref<128xi32, #tpu.memory_space<vmem>>
      %dma_start3A_25 = arith.constant 0 : i32
      %dma_start3A_26 = tpu.memref_slice %arg9[%dma_start3A_25] : memref<102400xf32, #tpu.memory_space<vmem_shared>> -> memref<102400xf32, #tpu.memory_space<vmem_shared>>
      tpu.enqueue_indirect_dma source(%dma_start3A_21 : memref<128xf32, #tpu.memory_space<vmem>>) target(%dma_start3A_26 : memref<102400xf32, #tpu.memory_space<vmem_shared>>) offsets(%dma_start3A_24 : memref<128xi32, #tpu.memory_space<vmem>>) semaphore(%arg12 : memref<!tpu.dma_semaphore, #tpu.memory_space<semaphore_mem>>) {add = true}
      %dma_start3A_27 = arith.constant 1 : i32
      %dma_start3A_28 = arith.constant 1 : i32
      %dma_start3A_29 = arith.constant 0 : i32
      %dma_start3A_30 = tpu.memref_slice %arg8[%dma_start3A_27, %dma_start3A_29] : memref<8x128xf32, #tpu.memory_space<vmem>> -> memref<1x128xf32, #tpu.memory_space<vmem>>
      %dma_start3A_31 = tpu.memref_squeeze %dma_start3A_30 : memref<1x128xf32, #tpu.memory_space<vmem>> -> memref<128xf32, #tpu.memory_space<vmem>>
      %dma_start3A_32 = arith.constant 0 : i32
      %dma_start3A_33 = tpu.memref_slice %arg6[%dma_start3A_28, %dma_start3A_32] : memref<8x128xi32, #tpu.memory_space<vmem>> -> memref<1x128xi32, #tpu.memory_space<vmem>>
      %dma_start3A_34 = tpu.memref_squeeze %dma_start3A_33 : memref<1x128xi32, #tpu.memory_space<vmem>> -> memref<128xi32, #tpu.memory_space<vmem>>
      %dma_start3A_35 = arith.constant 0 : i32
      %dma_start3A_36 = tpu.memref_slice %arg9[%dma_start3A_35] : memref<102400xf32, #tpu.memory_space<vmem_shared>> -> memref<102400xf32, #tpu.memory_space<vmem_shared>>
      tpu.enqueue_indirect_dma source(%dma_start3A_31 : memref<128xf32, #tpu.memory_space<vmem>>) target(%dma_start3A_36 : memref<102400xf32, #tpu.memory_space<vmem_shared>>) offsets(%dma_start3A_34 : memref<128xi32, #tpu.memory_space<vmem>>) semaphore(%arg12 : memref<!tpu.dma_semaphore, #tpu.memory_space<semaphore_mem>>) {add = true}
      %dma_start3A_37 = arith.constant 2 : i32
      %dma_start3A_38 = arith.constant 2 : i32
      %dma_start3A_39 = arith.constant 0 : i32
      %dma_start3A_40 = tpu.memref_slice %arg8[%dma_start3A_37, %dma_start3A_39] : memref<8x128xf32, #tpu.memory_space<vmem>> -> memref<1x128xf32, #tpu.memory_space<vmem>>
      %dma_start3A_41 = tpu.memref_squeeze %dma_start3A_40 : memref<1x128xf32, #tpu.memory_space<vmem>> -> memref<128xf32, #tpu.memory_space<vmem>>
      %dma_start3A_42 = arith.constant 0 : i32
      %dma_start3A_43 = tpu.memref_slice %arg6[%dma_start3A_38, %dma_start3A_42] : memref<8x128xi32, #tpu.memory_space<vmem>> -> memref<1x128xi32, #tpu.memory_space<vmem>>
      %dma_start3A_44 = tpu.memref_squeeze %dma_start3A_43 : memref<1x128xi32, #tpu.memory_space<vmem>> -> memref<128xi32, #tpu.memory_space<vmem>>
      %dma_start3A_45 = arith.constant 0 : i32
      %dma_start3A_46 = tpu.memref_slice %arg9[%dma_start3A_45] : memref<102400xf32, #tpu.memory_space<vmem_shared>> -> memref<102400xf32, #tpu.memory_space<vmem_shared>>
      tpu.enqueue_indirect_dma source(%dma_start3A_41 : memref<128xf32, #tpu.memory_space<vmem>>) target(%dma_start3A_46 : memref<102400xf32, #tpu.memory_space<vmem_shared>>) offsets(%dma_start3A_44 : memref<128xi32, #tpu.memory_space<vmem>>) semaphore(%arg12 : memref<!tpu.dma_semaphore, #tpu.memory_space<semaphore_mem>>) {add = true}
      %dma_start3A_47 = arith.constant 3 : i32
      %dma_start3A_48 = arith.constant 3 : i32
      %dma_start3A_49 = arith.constant 0 : i32
      %dma_start3A_50 = tpu.memref_slice %arg8[%dma_start3A_47, %dma_start3A_49] : memref<8x128xf32, #tpu.memory_space<vmem>> -> memref<1x128xf32, #tpu.memory_space<vmem>>
      %dma_start3A_51 = tpu.memref_squeeze %dma_start3A_50 : memref<1x128xf32, #tpu.memory_space<vmem>> -> memref<128xf32, #tpu.memory_space<vmem>>
      %dma_start3A_52 = arith.constant 0 : i32
      %dma_start3A_53 = tpu.memref_slice %arg6[%dma_start3A_48, %dma_start3A_52] : memref<8x128xi32, #tpu.memory_space<vmem>> -> memref<1x128xi32, #tpu.memory_space<vmem>>
      %dma_start3A_54 = tpu.memref_squeeze %dma_start3A_53 : memref<1x128xi32, #tpu.memory_space<vmem>> -> memref<128xi32, #tpu.memory_space<vmem>>
      %dma_start3A_55 = arith.constant 0 : i32
      %dma_start3A_56 = tpu.memref_slice %arg9[%dma_start3A_55] : memref<102400xf32, #tpu.memory_space<vmem_shared>> -> memref<102400xf32, #tpu.memory_space<vmem_shared>>
      tpu.enqueue_indirect_dma source(%dma_start3A_51 : memref<128xf32, #tpu.memory_space<vmem>>) target(%dma_start3A_56 : memref<102400xf32, #tpu.memory_space<vmem_shared>>) offsets(%dma_start3A_54 : memref<128xi32, #tpu.memory_space<vmem>>) semaphore(%arg12 : memref<!tpu.dma_semaphore, #tpu.memory_space<semaphore_mem>>) {add = true}
      %dma_start3A_57 = arith.constant 4 : i32
      %dma_start3A_58 = arith.constant 4 : i32
      %dma_start3A_59 = arith.constant 0 : i32
      %dma_start3A_60 = tpu.memref_slice %arg8[%dma_start3A_57, %dma_start3A_59] : memref<8x128xf32, #tpu.memory_space<vmem>> -> memref<1x128xf32, #tpu.memory_space<vmem>>
      %dma_start3A_61 = tpu.memref_squeeze %dma_start3A_60 : memref<1x128xf32, #tpu.memory_space<vmem>> -> memref<128xf32, #tpu.memory_space<vmem>>
      %dma_start3A_62 = arith.constant 0 : i32
      %dma_start3A_63 = tpu.memref_slice %arg6[%dma_start3A_58, %dma_start3A_62] : memref<8x128xi32, #tpu.memory_space<vmem>> -> memref<1x128xi32, #tpu.memory_space<vmem>>
      %dma_start3A_64 = tpu.memref_squeeze %dma_start3A_63 : memref<1x128xi32, #tpu.memory_space<vmem>> -> memref<128xi32, #tpu.memory_space<vmem>>
      %dma_start3A_65 = arith.constant 0 : i32
      %dma_start3A_66 = tpu.memref_slice %arg9[%dma_start3A_65] : memref<102400xf32, #tpu.memory_space<vmem_shared>> -> memref<102400xf32, #tpu.memory_space<vmem_shared>>
      tpu.enqueue_indirect_dma source(%dma_start3A_61 : memref<128xf32, #tpu.memory_space<vmem>>) target(%dma_start3A_66 : memref<102400xf32, #tpu.memory_space<vmem_shared>>) offsets(%dma_start3A_64 : memref<128xi32, #tpu.memory_space<vmem>>) semaphore(%arg12 : memref<!tpu.dma_semaphore, #tpu.memory_space<semaphore_mem>>) {add = true}
      %dma_start3A_67 = arith.constant 5 : i32
      %dma_start3A_68 = arith.constant 5 : i32
      %dma_start3A_69 = arith.constant 0 : i32
      %dma_start3A_70 = tpu.memref_slice %arg8[%dma_start3A_67, %dma_start3A_69] : memref<8x128xf32, #tpu.memory_space<vmem>> -> memref<1x128xf32, #tpu.memory_space<vmem>>
      %dma_start3A_71 = tpu.memref_squeeze %dma_start3A_70 : memref<1x128xf32, #tpu.memory_space<vmem>> -> memref<128xf32, #tpu.memory_space<vmem>>
      %dma_start3A_72 = arith.constant 0 : i32
      %dma_start3A_73 = tpu.memref_slice %arg6[%dma_start3A_68, %dma_start3A_72] : memref<8x128xi32, #tpu.memory_space<vmem>> -> memref<1x128xi32, #tpu.memory_space<vmem>>
      %dma_start3A_74 = tpu.memref_squeeze %dma_start3A_73 : memref<1x128xi32, #tpu.memory_space<vmem>> -> memref<128xi32, #tpu.memory_space<vmem>>
      %dma_start3A_75 = arith.constant 0 : i32
      %dma_start3A_76 = tpu.memref_slice %arg9[%dma_start3A_75] : memref<102400xf32, #tpu.memory_space<vmem_shared>> -> memref<102400xf32, #tpu.memory_space<vmem_shared>>
      tpu.enqueue_indirect_dma source(%dma_start3A_71 : memref<128xf32, #tpu.memory_space<vmem>>) target(%dma_start3A_76 : memref<102400xf32, #tpu.memory_space<vmem_shared>>) offsets(%dma_start3A_74 : memref<128xi32, #tpu.memory_space<vmem>>) semaphore(%arg12 : memref<!tpu.dma_semaphore, #tpu.memory_space<semaphore_mem>>) {add = true}
      %dma_start3A_77 = arith.constant 6 : i32
      %dma_start3A_78 = arith.constant 6 : i32
      %dma_start3A_79 = arith.constant 0 : i32
      %dma_start3A_80 = tpu.memref_slice %arg8[%dma_start3A_77, %dma_start3A_79] : memref<8x128xf32, #tpu.memory_space<vmem>> -> memref<1x128xf32, #tpu.memory_space<vmem>>
      %dma_start3A_81 = tpu.memref_squeeze %dma_start3A_80 : memref<1x128xf32, #tpu.memory_space<vmem>> -> memref<128xf32, #tpu.memory_space<vmem>>
      %dma_start3A_82 = arith.constant 0 : i32
      %dma_start3A_83 = tpu.memref_slice %arg6[%dma_start3A_78, %dma_start3A_82] : memref<8x128xi32, #tpu.memory_space<vmem>> -> memref<1x128xi32, #tpu.memory_space<vmem>>
      %dma_start3A_84 = tpu.memref_squeeze %dma_start3A_83 : memref<1x128xi32, #tpu.memory_space<vmem>> -> memref<128xi32, #tpu.memory_space<vmem>>
      %dma_start3A_85 = arith.constant 0 : i32
      %dma_start3A_86 = tpu.memref_slice %arg9[%dma_start3A_85] : memref<102400xf32, #tpu.memory_space<vmem_shared>> -> memref<102400xf32, #tpu.memory_space<vmem_shared>>
      tpu.enqueue_indirect_dma source(%dma_start3A_81 : memref<128xf32, #tpu.memory_space<vmem>>) target(%dma_start3A_86 : memref<102400xf32, #tpu.memory_space<vmem_shared>>) offsets(%dma_start3A_84 : memref<128xi32, #tpu.memory_space<vmem>>) semaphore(%arg12 : memref<!tpu.dma_semaphore, #tpu.memory_space<semaphore_mem>>) {add = true}
      %dma_start3A_87 = arith.constant 7 : i32
      %dma_start3A_88 = arith.constant 7 : i32
      %dma_start3A_89 = arith.constant 0 : i32
      %dma_start3A_90 = tpu.memref_slice %arg8[%dma_start3A_87, %dma_start3A_89] : memref<8x128xf32, #tpu.memory_space<vmem>> -> memref<1x128xf32, #tpu.memory_space<vmem>>
      %dma_start3A_91 = tpu.memref_squeeze %dma_start3A_90 : memref<1x128xf32, #tpu.memory_space<vmem>> -> memref<128xf32, #tpu.memory_space<vmem>>
      %dma_start3A_92 = arith.constant 0 : i32
      %dma_start3A_93 = tpu.memref_slice %arg6[%dma_start3A_88, %dma_start3A_92] : memref<8x128xi32, #tpu.memory_space<vmem>> -> memref<1x128xi32, #tpu.memory_space<vmem>>
      %dma_start3A_94 = tpu.memref_squeeze %dma_start3A_93 : memref<1x128xi32, #tpu.memory_space<vmem>> -> memref<128xi32, #tpu.memory_space<vmem>>
      %dma_start3A_95 = arith.constant 0 : i32
      %dma_start3A_96 = tpu.memref_slice %arg9[%dma_start3A_95] : memref<102400xf32, #tpu.memory_space<vmem_shared>> -> memref<102400xf32, #tpu.memory_space<vmem_shared>>
      tpu.enqueue_indirect_dma source(%dma_start3A_91 : memref<128xf32, #tpu.memory_space<vmem>>) target(%dma_start3A_96 : memref<102400xf32, #tpu.memory_space<vmem_shared>>) offsets(%dma_start3A_94 : memref<128xi32, #tpu.memory_space<vmem>>) semaphore(%arg12 : memref<!tpu.dma_semaphore, #tpu.memory_space<semaphore_mem>>) {add = true}
      %mul3A_97 = arith.constant 2 : i32
      %mul3A_98 = arith.muli %mul3A_97, %scan3A_17 : i32
      %add3A_99 = arith.addi %mul3A_2, %mul3A_98 : i32
      %add3A_100 = arith.constant 1 : i32
      %add3A_101 = arith.addi %add3A_99, %add3A_100 : i32
      %dma_start3A_102 = arith.constant 0 : i32
      %dma_start3A_103 = arith.constant 0 : i32
      %dma_start3A_104 = tpu.memref_slice %arg2[%add3A_101, %dma_start3A_102, %dma_start3A_103] : memref<3136x8x128xi32, #tpu.memory_space<hbm>> -> memref<1x8x128xi32, #tpu.memory_space<hbm>>
      %dma_start3A_105 = tpu.memref_squeeze %dma_start3A_104 : memref<1x8x128xi32, #tpu.memory_space<hbm>> -> memref<8x128xi32, #tpu.memory_space<hbm>>
      %dma_start3A_106 = arith.constant 0 : i32
      %dma_start3A_107 = arith.constant 0 : i32
      %dma_start3A_108 = tpu.memref_slice %arg2[%add3A_101, %dma_start3A_106, %dma_start3A_107] : memref<3136x8x128xi32, #tpu.memory_space<hbm>> -> memref<1x8x128xi32, #tpu.memory_space<hbm>>
      %dma_start3A_109 = tpu.memref_squeeze %dma_start3A_108 : memref<1x8x128xi32, #tpu.memory_space<hbm>> -> memref<8x128xi32, #tpu.memory_space<hbm>>
      tpu.enqueue_dma source(%dma_start3A_109 : memref<8x128xi32, #tpu.memory_space<hbm>>) target(%arg7 : memref<8x128xi32, #tpu.memory_space<vmem>>) target_semaphore(%arg11 : memref<!tpu.dma_semaphore, #tpu.memory_space<semaphore_mem>>)
      %dma_wait3A = arith.constant 0 : i32
      %dma_wait3A_110 = arith.constant 0 : i32
      %dma_wait3A_111 = arith.constant 0 : i32
      %dma_wait3A_112 = tpu.memref_slice %arg8[%dma_wait3A, %dma_wait3A_111] : memref<8x128xf32, #tpu.memory_space<vmem>> -> memref<1x128xf32, #tpu.memory_space<vmem>>
      %dma_wait3A_113 = tpu.memref_squeeze %dma_wait3A_112 : memref<1x128xf32, #tpu.memory_space<vmem>> -> memref<128xf32, #tpu.memory_space<vmem>>
      %dma_wait3A_114 = arith.constant 0 : i32
      %dma_wait3A_115 = tpu.memref_slice %arg6[%dma_wait3A_110, %dma_wait3A_114] : memref<8x128xi32, #tpu.memory_space<vmem>> -> memref<1x128xi32, #tpu.memory_space<vmem>>
      %dma_wait3A_116 = tpu.memref_squeeze %dma_wait3A_115 : memref<1x128xi32, #tpu.memory_space<vmem>> -> memref<128xi32, #tpu.memory_space<vmem>>
      %dma_wait3A_117 = arith.constant 0 : i32
      %dma_wait3A_118 = tpu.memref_slice %arg9[%dma_wait3A_117] : memref<102400xf32, #tpu.memory_space<vmem_shared>> -> memref<102400xf32, #tpu.memory_space<vmem_shared>>
      tpu.wait_indirect_dma semaphore(%arg12 : memref<!tpu.dma_semaphore, #tpu.memory_space<semaphore_mem>>) src(%dma_wait3A_113 : memref<128xf32, #tpu.memory_space<vmem>>) dst(%dma_wait3A_118 : memref<102400xf32, #tpu.memory_space<vmem_shared>>)
      %dma_wait3A_119 = arith.constant 1 : i32
      %dma_wait3A_120 = arith.constant 1 : i32
      %dma_wait3A_121 = arith.constant 0 : i32
      %dma_wait3A_122 = tpu.memref_slice %arg8[%dma_wait3A_119, %dma_wait3A_121] : memref<8x128xf32, #tpu.memory_space<vmem>> -> memref<1x128xf32, #tpu.memory_space<vmem>>
      %dma_wait3A_123 = tpu.memref_squeeze %dma_wait3A_122 : memref<1x128xf32, #tpu.memory_space<vmem>> -> memref<128xf32, #tpu.memory_space<vmem>>
      %dma_wait3A_124 = arith.constant 0 : i32
      %dma_wait3A_125 = tpu.memref_slice %arg6[%dma_wait3A_120, %dma_wait3A_124] : memref<8x128xi32, #tpu.memory_space<vmem>> -> memref<1x128xi32, #tpu.memory_space<vmem>>
      %dma_wait3A_126 = tpu.memref_squeeze %dma_wait3A_125 : memref<1x128xi32, #tpu.memory_space<vmem>> -> memref<128xi32, #tpu.memory_space<vmem>>
      %dma_wait3A_127 = arith.constant 0 : i32
      %dma_wait3A_128 = tpu.memref_slice %arg9[%dma_wait3A_127] : memref<102400xf32, #tpu.memory_space<vmem_shared>> -> memref<102400xf32, #tpu.memory_space<vmem_shared>>
      tpu.wait_indirect_dma semaphore(%arg12 : memref<!tpu.dma_semaphore, #tpu.memory_space<semaphore_mem>>) src(%dma_wait3A_123 : memref<128xf32, #tpu.memory_space<vmem>>) dst(%dma_wait3A_128 : memref<102400xf32, #tpu.memory_space<vmem_shared>>)
      %dma_wait3A_129 = arith.constant 2 : i32
      %dma_wait3A_130 = arith.constant 2 : i32
      %dma_wait3A_131 = arith.constant 0 : i32
      %dma_wait3A_132 = tpu.memref_slice %arg8[%dma_wait3A_129, %dma_wait3A_131] : memref<8x128xf32, #tpu.memory_space<vmem>> -> memref<1x128xf32, #tpu.memory_space<vmem>>
      %dma_wait3A_133 = tpu.memref_squeeze %dma_wait3A_132 : memref<1x128xf32, #tpu.memory_space<vmem>> -> memref<128xf32, #tpu.memory_space<vmem>>
      %dma_wait3A_134 = arith.constant 0 : i32
      %dma_wait3A_135 = tpu.memref_slice %arg6[%dma_wait3A_130, %dma_wait3A_134] : memref<8x128xi32, #tpu.memory_space<vmem>> -> memref<1x128xi32, #tpu.memory_space<vmem>>
      %dma_wait3A_136 = tpu.memref_squeeze %dma_wait3A_135 : memref<1x128xi32, #tpu.memory_space<vmem>> -> memref<128xi32, #tpu.memory_space<vmem>>
      %dma_wait3A_137 = arith.constant 0 : i32
      %dma_wait3A_138 = tpu.memref_slice %arg9[%dma_wait3A_137] : memref<102400xf32, #tpu.memory_space<vmem_shared>> -> memref<102400xf32, #tpu.memory_space<vmem_shared>>
      tpu.wait_indirect_dma semaphore(%arg12 : memref<!tpu.dma_semaphore, #tpu.memory_space<semaphore_mem>>) src(%dma_wait3A_133 : memref<128xf32, #tpu.memory_space<vmem>>) dst(%dma_wait3A_138 : memref<102400xf32, #tpu.memory_space<vmem_shared>>)
      %dma_wait3A_139 = arith.constant 3 : i32
      %dma_wait3A_140 = arith.constant 3 : i32
      %dma_wait3A_141 = arith.constant 0 : i32
      %dma_wait3A_142 = tpu.memref_slice %arg8[%dma_wait3A_139, %dma_wait3A_141] : memref<8x128xf32, #tpu.memory_space<vmem>> -> memref<1x128xf32, #tpu.memory_space<vmem>>
      %dma_wait3A_143 = tpu.memref_squeeze %dma_wait3A_142 : memref<1x128xf32, #tpu.memory_space<vmem>> -> memref<128xf32, #tpu.memory_space<vmem>>
      %dma_wait3A_144 = arith.constant 0 : i32
      %dma_wait3A_145 = tpu.memref_slice %arg6[%dma_wait3A_140, %dma_wait3A_144] : memref<8x128xi32, #tpu.memory_space<vmem>> -> memref<1x128xi32, #tpu.memory_space<vmem>>
      %dma_wait3A_146 = tpu.memref_squeeze %dma_wait3A_145 : memref<1x128xi32, #tpu.memory_space<vmem>> -> memref<128xi32, #tpu.memory_space<vmem>>
      %dma_wait3A_147 = arith.constant 0 : i32
      %dma_wait3A_148 = tpu.memref_slice %arg9[%dma_wait3A_147] : memref<102400xf32, #tpu.memory_space<vmem_shared>> -> memref<102400xf32, #tpu.memory_space<vmem_shared>>
      tpu.wait_indirect_dma semaphore(%arg12 : memref<!tpu.dma_semaphore, #tpu.memory_space<semaphore_mem>>) src(%dma_wait3A_143 : memref<128xf32, #tpu.memory_space<vmem>>) dst(%dma_wait3A_148 : memref<102400xf32, #tpu.memory_space<vmem_shared>>)
      %dma_wait3A_149 = arith.constant 4 : i32
      %dma_wait3A_150 = arith.constant 4 : i32
      %dma_wait3A_151 = arith.constant 0 : i32
      %dma_wait3A_152 = tpu.memref_slice %arg8[%dma_wait3A_149, %dma_wait3A_151] : memref<8x128xf32, #tpu.memory_space<vmem>> -> memref<1x128xf32, #tpu.memory_space<vmem>>
      %dma_wait3A_153 = tpu.memref_squeeze %dma_wait3A_152 : memref<1x128xf32, #tpu.memory_space<vmem>> -> memref<128xf32, #tpu.memory_space<vmem>>
      %dma_wait3A_154 = arith.constant 0 : i32
      %dma_wait3A_155 = tpu.memref_slice %arg6[%dma_wait3A_150, %dma_wait3A_154] : memref<8x128xi32, #tpu.memory_space<vmem>> -> memref<1x128xi32, #tpu.memory_space<vmem>>
      %dma_wait3A_156 = tpu.memref_squeeze %dma_wait3A_155 : memref<1x128xi32, #tpu.memory_space<vmem>> -> memref<128xi32, #tpu.memory_space<vmem>>
      %dma_wait3A_157 = arith.constant 0 : i32
      %dma_wait3A_158 = tpu.memref_slice %arg9[%dma_wait3A_157] : memref<102400xf32, #tpu.memory_space<vmem_shared>> -> memref<102400xf32, #tpu.memory_space<vmem_shared>>
      tpu.wait_indirect_dma semaphore(%arg12 : memref<!tpu.dma_semaphore, #tpu.memory_space<semaphore_mem>>) src(%dma_wait3A_153 : memref<128xf32, #tpu.memory_space<vmem>>) dst(%dma_wait3A_158 : memref<102400xf32, #tpu.memory_space<vmem_shared>>)
      %dma_wait3A_159 = arith.constant 5 : i32
      %dma_wait3A_160 = arith.constant 5 : i32
      %dma_wait3A_161 = arith.constant 0 : i32
      %dma_wait3A_162 = tpu.memref_slice %arg8[%dma_wait3A_159, %dma_wait3A_161] : memref<8x128xf32, #tpu.memory_space<vmem>> -> memref<1x128xf32, #tpu.memory_space<vmem>>
      %dma_wait3A_163 = tpu.memref_squeeze %dma_wait3A_162 : memref<1x128xf32, #tpu.memory_space<vmem>> -> memref<128xf32, #tpu.memory_space<vmem>>
      %dma_wait3A_164 = arith.constant 0 : i32
      %dma_wait3A_165 = tpu.memref_slice %arg6[%dma_wait3A_160, %dma_wait3A_164] : memref<8x128xi32, #tpu.memory_space<vmem>> -> memref<1x128xi32, #tpu.memory_space<vmem>>
      %dma_wait3A_166 = tpu.memref_squeeze %dma_wait3A_165 : memref<1x128xi32, #tpu.memory_space<vmem>> -> memref<128xi32, #tpu.memory_space<vmem>>
      %dma_wait3A_167 = arith.constant 0 : i32
      %dma_wait3A_168 = tpu.memref_slice %arg9[%dma_wait3A_167] : memref<102400xf32, #tpu.memory_space<vmem_shared>> -> memref<102400xf32, #tpu.memory_space<vmem_shared>>
      tpu.wait_indirect_dma semaphore(%arg12 : memref<!tpu.dma_semaphore, #tpu.memory_space<semaphore_mem>>) src(%dma_wait3A_163 : memref<128xf32, #tpu.memory_space<vmem>>) dst(%dma_wait3A_168 : memref<102400xf32, #tpu.memory_space<vmem_shared>>)
      %dma_wait3A_169 = arith.constant 6 : i32
      %dma_wait3A_170 = arith.constant 6 : i32
      %dma_wait3A_171 = arith.constant 0 : i32
      %dma_wait3A_172 = tpu.memref_slice %arg8[%dma_wait3A_169, %dma_wait3A_171] : memref<8x128xf32, #tpu.memory_space<vmem>> -> memref<1x128xf32, #tpu.memory_space<vmem>>
      %dma_wait3A_173 = tpu.memref_squeeze %dma_wait3A_172 : memref<1x128xf32, #tpu.memory_space<vmem>> -> memref<128xf32, #tpu.memory_space<vmem>>
      %dma_wait3A_174 = arith.constant 0 : i32
      %dma_wait3A_175 = tpu.memref_slice %arg6[%dma_wait3A_170, %dma_wait3A_174] : memref<8x128xi32, #tpu.memory_space<vmem>> -> memref<1x128xi32, #tpu.memory_space<vmem>>
      %dma_wait3A_176 = tpu.memref_squeeze %dma_wait3A_175 : memref<1x128xi32, #tpu.memory_space<vmem>> -> memref<128xi32, #tpu.memory_space<vmem>>
      %dma_wait3A_177 = arith.constant 0 : i32
      %dma_wait3A_178 = tpu.memref_slice %arg9[%dma_wait3A_177] : memref<102400xf32, #tpu.memory_space<vmem_shared>> -> memref<102400xf32, #tpu.memory_space<vmem_shared>>
      tpu.wait_indirect_dma semaphore(%arg12 : memref<!tpu.dma_semaphore, #tpu.memory_space<semaphore_mem>>) src(%dma_wait3A_173 : memref<128xf32, #tpu.memory_space<vmem>>) dst(%dma_wait3A_178 : memref<102400xf32, #tpu.memory_space<vmem_shared>>)
      %dma_wait3A_179 = arith.constant 7 : i32
      %dma_wait3A_180 = arith.constant 7 : i32
      %dma_wait3A_181 = arith.constant 0 : i32
      %dma_wait3A_182 = tpu.memref_slice %arg8[%dma_wait3A_179, %dma_wait3A_181] : memref<8x128xf32, #tpu.memory_space<vmem>> -> memref<1x128xf32, #tpu.memory_space<vmem>>
      %dma_wait3A_183 = tpu.memref_squeeze %dma_wait3A_182 : memref<1x128xf32, #tpu.memory_space<vmem>> -> memref<128xf32, #tpu.memory_space<vmem>>
      %dma_wait3A_184 = arith.constant 0 : i32
      %dma_wait3A_185 = tpu.memref_slice %arg6[%dma_wait3A_180, %dma_wait3A_184] : memref<8x128xi32, #tpu.memory_space<vmem>> -> memref<1x128xi32, #tpu.memory_space<vmem>>
      %dma_wait3A_186 = tpu.memref_squeeze %dma_wait3A_185 : memref<1x128xi32, #tpu.memory_space<vmem>> -> memref<128xi32, #tpu.memory_space<vmem>>
      %dma_wait3A_187 = arith.constant 0 : i32
      %dma_wait3A_188 = tpu.memref_slice %arg9[%dma_wait3A_187] : memref<102400xf32, #tpu.memory_space<vmem_shared>> -> memref<102400xf32, #tpu.memory_space<vmem_shared>>
      tpu.wait_indirect_dma semaphore(%arg12 : memref<!tpu.dma_semaphore, #tpu.memory_space<semaphore_mem>>) src(%dma_wait3A_183 : memref<128xf32, #tpu.memory_space<vmem>>) dst(%dma_wait3A_188 : memref<102400xf32, #tpu.memory_space<vmem_shared>>)
      %dma_wait3A_189 = arith.constant 0 : i32
      %dma_wait3A_190 = arith.constant 0 : i32
      %dma_wait3A_191 = tpu.memref_slice %arg2[%add3A_101, %dma_wait3A_189, %dma_wait3A_190] : memref<3136x8x128xi32, #tpu.memory_space<hbm>> -> memref<1x8x128xi32, #tpu.memory_space<hbm>>
      %dma_wait3A_192 = tpu.memref_squeeze %dma_wait3A_191 : memref<1x8x128xi32, #tpu.memory_space<hbm>> -> memref<8x128xi32, #tpu.memory_space<hbm>>
      %dma_wait3A_193 = arith.constant 0 : i32
      %dma_wait3A_194 = arith.constant 0 : i32
      %dma_wait3A_195 = tpu.memref_slice %arg2[%add3A_101, %dma_wait3A_193, %dma_wait3A_194] : memref<3136x8x128xi32, #tpu.memory_space<hbm>> -> memref<1x8x128xi32, #tpu.memory_space<hbm>>
      %dma_wait3A_196 = tpu.memref_squeeze %dma_wait3A_195 : memref<1x8x128xi32, #tpu.memory_space<hbm>> -> memref<8x128xi32, #tpu.memory_space<hbm>>
      tpu.wait_dma2 semaphore(%arg11 : memref<!tpu.dma_semaphore, #tpu.memory_space<semaphore_mem>>) src(%dma_wait3A_196 : memref<8x128xi32, #tpu.memory_space<hbm>>) dst(%arg7 : memref<8x128xi32, #tpu.memory_space<vmem>>)
      %dma_start3A_197 = arith.constant 0 : i32
      %dma_start3A_198 = arith.constant 0 : i32
      %dma_start3A_199 = arith.constant 0 : i32
      %dma_start3A_200 = tpu.memref_slice %arg8[%dma_start3A_197, %dma_start3A_199] : memref<8x128xf32, #tpu.memory_space<vmem>> -> memref<1x128xf32, #tpu.memory_space<vmem>>
      %dma_start3A_201 = tpu.memref_squeeze %dma_start3A_200 : memref<1x128xf32, #tpu.memory_space<vmem>> -> memref<128xf32, #tpu.memory_space<vmem>>
      %dma_start3A_202 = arith.constant 0 : i32
      %dma_start3A_203 = tpu.memref_slice %arg7[%dma_start3A_198, %dma_start3A_202] : memref<8x128xi32, #tpu.memory_space<vmem>> -> memref<1x128xi32, #tpu.memory_space<vmem>>
      %dma_start3A_204 = tpu.memref_squeeze %dma_start3A_203 : memref<1x128xi32, #tpu.memory_space<vmem>> -> memref<128xi32, #tpu.memory_space<vmem>>
      %dma_start3A_205 = arith.constant 0 : i32
      %dma_start3A_206 = tpu.memref_slice %arg9[%dma_start3A_205] : memref<102400xf32, #tpu.memory_space<vmem_shared>> -> memref<102400xf32, #tpu.memory_space<vmem_shared>>
      tpu.enqueue_indirect_dma source(%dma_start3A_201 : memref<128xf32, #tpu.memory_space<vmem>>) target(%dma_start3A_206 : memref<102400xf32, #tpu.memory_space<vmem_shared>>) offsets(%dma_start3A_204 : memref<128xi32, #tpu.memory_space<vmem>>) semaphore(%arg12 : memref<!tpu.dma_semaphore, #tpu.memory_space<semaphore_mem>>) {add = true}
      %dma_start3A_207 = arith.constant 1 : i32
      %dma_start3A_208 = arith.constant 1 : i32
      %dma_start3A_209 = arith.constant 0 : i32
      %dma_start3A_210 = tpu.memref_slice %arg8[%dma_start3A_207, %dma_start3A_209] : memref<8x128xf32, #tpu.memory_space<vmem>> -> memref<1x128xf32, #tpu.memory_space<vmem>>
      %dma_start3A_211 = tpu.memref_squeeze %dma_start3A_210 : memref<1x128xf32, #tpu.memory_space<vmem>> -> memref<128xf32, #tpu.memory_space<vmem>>
      %dma_start3A_212 = arith.constant 0 : i32
      %dma_start3A_213 = tpu.memref_slice %arg7[%dma_start3A_208, %dma_start3A_212] : memref<8x128xi32, #tpu.memory_space<vmem>> -> memref<1x128xi32, #tpu.memory_space<vmem>>
      %dma_start3A_214 = tpu.memref_squeeze %dma_start3A_213 : memref<1x128xi32, #tpu.memory_space<vmem>> -> memref<128xi32, #tpu.memory_space<vmem>>
      %dma_start3A_215 = arith.constant 0 : i32
      %dma_start3A_216 = tpu.memref_slice %arg9[%dma_start3A_215] : memref<102400xf32, #tpu.memory_space<vmem_shared>> -> memref<102400xf32, #tpu.memory_space<vmem_shared>>
      tpu.enqueue_indirect_dma source(%dma_start3A_211 : memref<128xf32, #tpu.memory_space<vmem>>) target(%dma_start3A_216 : memref<102400xf32, #tpu.memory_space<vmem_shared>>) offsets(%dma_start3A_214 : memref<128xi32, #tpu.memory_space<vmem>>) semaphore(%arg12 : memref<!tpu.dma_semaphore, #tpu.memory_space<semaphore_mem>>) {add = true}
      %dma_start3A_217 = arith.constant 2 : i32
      %dma_start3A_218 = arith.constant 2 : i32
      %dma_start3A_219 = arith.constant 0 : i32
      %dma_start3A_220 = tpu.memref_slice %arg8[%dma_start3A_217, %dma_start3A_219] : memref<8x128xf32, #tpu.memory_space<vmem>> -> memref<1x128xf32, #tpu.memory_space<vmem>>
      %dma_start3A_221 = tpu.memref_squeeze %dma_start3A_220 : memref<1x128xf32, #tpu.memory_space<vmem>> -> memref<128xf32, #tpu.memory_space<vmem>>
      %dma_start3A_222 = arith.constant 0 : i32
      %dma_start3A_223 = tpu.memref_slice %arg7[%dma_start3A_218, %dma_start3A_222] : memref<8x128xi32, #tpu.memory_space<vmem>> -> memref<1x128xi32, #tpu.memory_space<vmem>>
      %dma_start3A_224 = tpu.memref_squeeze %dma_start3A_223 : memref<1x128xi32, #tpu.memory_space<vmem>> -> memref<128xi32, #tpu.memory_space<vmem>>
      %dma_start3A_225 = arith.constant 0 : i32
      %dma_start3A_226 = tpu.memref_slice %arg9[%dma_start3A_225] : memref<102400xf32, #tpu.memory_space<vmem_shared>> -> memref<102400xf32, #tpu.memory_space<vmem_shared>>
      tpu.enqueue_indirect_dma source(%dma_start3A_221 : memref<128xf32, #tpu.memory_space<vmem>>) target(%dma_start3A_226 : memref<102400xf32, #tpu.memory_space<vmem_shared>>) offsets(%dma_start3A_224 : memref<128xi32, #tpu.memory_space<vmem>>) semaphore(%arg12 : memref<!tpu.dma_semaphore, #tpu.memory_space<semaphore_mem>>) {add = true}
      %dma_start3A_227 = arith.constant 3 : i32
      %dma_start3A_228 = arith.constant 3 : i32
      %dma_start3A_229 = arith.constant 0 : i32
      %dma_start3A_230 = tpu.memref_slice %arg8[%dma_start3A_227, %dma_start3A_229] : memref<8x128xf32, #tpu.memory_space<vmem>> -> memref<1x128xf32, #tpu.memory_space<vmem>>
      %dma_start3A_231 = tpu.memref_squeeze %dma_start3A_230 : memref<1x128xf32, #tpu.memory_space<vmem>> -> memref<128xf32, #tpu.memory_space<vmem>>
      %dma_start3A_232 = arith.constant 0 : i32
      %dma_start3A_233 = tpu.memref_slice %arg7[%dma_start3A_228, %dma_start3A_232] : memref<8x128xi32, #tpu.memory_space<vmem>> -> memref<1x128xi32, #tpu.memory_space<vmem>>
      %dma_start3A_234 = tpu.memref_squeeze %dma_start3A_233 : memref<1x128xi32, #tpu.memory_space<vmem>> -> memref<128xi32, #tpu.memory_space<vmem>>
      %dma_start3A_235 = arith.constant 0 : i32
      %dma_start3A_236 = tpu.memref_slice %arg9[%dma_start3A_235] : memref<102400xf32, #tpu.memory_space<vmem_shared>> -> memref<102400xf32, #tpu.memory_space<vmem_shared>>
      tpu.enqueue_indirect_dma source(%dma_start3A_231 : memref<128xf32, #tpu.memory_space<vmem>>) target(%dma_start3A_236 : memref<102400xf32, #tpu.memory_space<vmem_shared>>) offsets(%dma_start3A_234 : memref<128xi32, #tpu.memory_space<vmem>>) semaphore(%arg12 : memref<!tpu.dma_semaphore, #tpu.memory_space<semaphore_mem>>) {add = true}
      %dma_start3A_237 = arith.constant 4 : i32
      %dma_start3A_238 = arith.constant 4 : i32
      %dma_start3A_239 = arith.constant 0 : i32
      %dma_start3A_240 = tpu.memref_slice %arg8[%dma_start3A_237, %dma_start3A_239] : memref<8x128xf32, #tpu.memory_space<vmem>> -> memref<1x128xf32, #tpu.memory_space<vmem>>
      %dma_start3A_241 = tpu.memref_squeeze %dma_start3A_240 : memref<1x128xf32, #tpu.memory_space<vmem>> -> memref<128xf32, #tpu.memory_space<vmem>>
      %dma_start3A_242 = arith.constant 0 : i32
      %dma_start3A_243 = tpu.memref_slice %arg7[%dma_start3A_238, %dma_start3A_242] : memref<8x128xi32, #tpu.memory_space<vmem>> -> memref<1x128xi32, #tpu.memory_space<vmem>>
      %dma_start3A_244 = tpu.memref_squeeze %dma_start3A_243 : memref<1x128xi32, #tpu.memory_space<vmem>> -> memref<128xi32, #tpu.memory_space<vmem>>
      %dma_start3A_245 = arith.constant 0 : i32
      %dma_start3A_246 = tpu.memref_slice %arg9[%dma_start3A_245] : memref<102400xf32, #tpu.memory_space<vmem_shared>> -> memref<102400xf32, #tpu.memory_space<vmem_shared>>
      tpu.enqueue_indirect_dma source(%dma_start3A_241 : memref<128xf32, #tpu.memory_space<vmem>>) target(%dma_start3A_246 : memref<102400xf32, #tpu.memory_space<vmem_shared>>) offsets(%dma_start3A_244 : memref<128xi32, #tpu.memory_space<vmem>>) semaphore(%arg12 : memref<!tpu.dma_semaphore, #tpu.memory_space<semaphore_mem>>) {add = true}
      %dma_start3A_247 = arith.constant 5 : i32
      %dma_start3A_248 = arith.constant 5 : i32
      %dma_start3A_249 = arith.constant 0 : i32
      %dma_start3A_250 = tpu.memref_slice %arg8[%dma_start3A_247, %dma_start3A_249] : memref<8x128xf32, #tpu.memory_space<vmem>> -> memref<1x128xf32, #tpu.memory_space<vmem>>
      %dma_start3A_251 = tpu.memref_squeeze %dma_start3A_250 : memref<1x128xf32, #tpu.memory_space<vmem>> -> memref<128xf32, #tpu.memory_space<vmem>>
      %dma_start3A_252 = arith.constant 0 : i32
      %dma_start3A_253 = tpu.memref_slice %arg7[%dma_start3A_248, %dma_start3A_252] : memref<8x128xi32, #tpu.memory_space<vmem>> -> memref<1x128xi32, #tpu.memory_space<vmem>>
      %dma_start3A_254 = tpu.memref_squeeze %dma_start3A_253 : memref<1x128xi32, #tpu.memory_space<vmem>> -> memref<128xi32, #tpu.memory_space<vmem>>
      %dma_start3A_255 = arith.constant 0 : i32
      %dma_start3A_256 = tpu.memref_slice %arg9[%dma_start3A_255] : memref<102400xf32, #tpu.memory_space<vmem_shared>> -> memref<102400xf32, #tpu.memory_space<vmem_shared>>
      tpu.enqueue_indirect_dma source(%dma_start3A_251 : memref<128xf32, #tpu.memory_space<vmem>>) target(%dma_start3A_256 : memref<102400xf32, #tpu.memory_space<vmem_shared>>) offsets(%dma_start3A_254 : memref<128xi32, #tpu.memory_space<vmem>>) semaphore(%arg12 : memref<!tpu.dma_semaphore, #tpu.memory_space<semaphore_mem>>) {add = true}
      %dma_start3A_257 = arith.constant 6 : i32
      %dma_start3A_258 = arith.constant 6 : i32
      %dma_start3A_259 = arith.constant 0 : i32
      %dma_start3A_260 = tpu.memref_slice %arg8[%dma_start3A_257, %dma_start3A_259] : memref<8x128xf32, #tpu.memory_space<vmem>> -> memref<1x128xf32, #tpu.memory_space<vmem>>
      %dma_start3A_261 = tpu.memref_squeeze %dma_start3A_260 : memref<1x128xf32, #tpu.memory_space<vmem>> -> memref<128xf32, #tpu.memory_space<vmem>>
      %dma_start3A_262 = arith.constant 0 : i32
      %dma_start3A_263 = tpu.memref_slice %arg7[%dma_start3A_258, %dma_start3A_262] : memref<8x128xi32, #tpu.memory_space<vmem>> -> memref<1x128xi32, #tpu.memory_space<vmem>>
      %dma_start3A_264 = tpu.memref_squeeze %dma_start3A_263 : memref<1x128xi32, #tpu.memory_space<vmem>> -> memref<128xi32, #tpu.memory_space<vmem>>
      %dma_start3A_265 = arith.constant 0 : i32
      %dma_start3A_266 = tpu.memref_slice %arg9[%dma_start3A_265] : memref<102400xf32, #tpu.memory_space<vmem_shared>> -> memref<102400xf32, #tpu.memory_space<vmem_shared>>
      tpu.enqueue_indirect_dma source(%dma_start3A_261 : memref<128xf32, #tpu.memory_space<vmem>>) target(%dma_start3A_266 : memref<102400xf32, #tpu.memory_space<vmem_shared>>) offsets(%dma_start3A_264 : memref<128xi32, #tpu.memory_space<vmem>>) semaphore(%arg12 : memref<!tpu.dma_semaphore, #tpu.memory_space<semaphore_mem>>) {add = true}
      %dma_start3A_267 = arith.constant 7 : i32
      %dma_start3A_268 = arith.constant 7 : i32
      %dma_start3A_269 = arith.constant 0 : i32
      %dma_start3A_270 = tpu.memref_slice %arg8[%dma_start3A_267, %dma_start3A_269] : memref<8x128xf32, #tpu.memory_space<vmem>> -> memref<1x128xf32, #tpu.memory_space<vmem>>
      %dma_start3A_271 = tpu.memref_squeeze %dma_start3A_270 : memref<1x128xf32, #tpu.memory_space<vmem>> -> memref<128xf32, #tpu.memory_space<vmem>>
      %dma_start3A_272 = arith.constant 0 : i32
      %dma_start3A_273 = tpu.memref_slice %arg7[%dma_start3A_268, %dma_start3A_272] : memref<8x128xi32, #tpu.memory_space<vmem>> -> memref<1x128xi32, #tpu.memory_space<vmem>>
      %dma_start3A_274 = tpu.memref_squeeze %dma_start3A_273 : memref<1x128xi32, #tpu.memory_space<vmem>> -> memref<128xi32, #tpu.memory_space<vmem>>
      %dma_start3A_275 = arith.constant 0 : i32
      %dma_start3A_276 = tpu.memref_slice %arg9[%dma_start3A_275] : memref<102400xf32, #tpu.memory_space<vmem_shared>> -> memref<102400xf32, #tpu.memory_space<vmem_shared>>
      tpu.enqueue_indirect_dma source(%dma_start3A_271 : memref<128xf32, #tpu.memory_space<vmem>>) target(%dma_start3A_276 : memref<102400xf32, #tpu.memory_space<vmem_shared>>) offsets(%dma_start3A_274 : memref<128xi32, #tpu.memory_space<vmem>>) semaphore(%arg12 : memref<!tpu.dma_semaphore, #tpu.memory_space<semaphore_mem>>) {add = true}
      %lt3A = arith.constant 48 : i32
      %lt3A_277 = arith.cmpi slt, %scan3A_17, %lt3A : i32
      %convert_element_type3A = arith.extui %lt3A_277 : i1 to i32
      %cond3A = arith.constant 0 : i32
      %cond3A_278 = arith.cmpi ne, %convert_element_type3A, %cond3A : i32
      scf.if %cond3A_278 {
        %mul3A_364 = arith.constant 2 : i32
        %mul3A_365 = arith.muli %mul3A_364, %scan3A_17 : i32
        %add3A_366 = arith.addi %mul3A_2, %mul3A_365 : i32
        %add3A_367 = arith.constant 2 : i32
        %add3A_368 = arith.addi %add3A_366, %add3A_367 : i32
        %dma_start3A_369 = arith.constant 0 : i32
        %dma_start3A_370 = arith.constant 0 : i32
        %dma_start3A_371 = tpu.memref_slice %arg2[%add3A_368, %dma_start3A_369, %dma_start3A_370] : memref<3136x8x128xi32, #tpu.memory_space<hbm>> -> memref<1x8x128xi32, #tpu.memory_space<hbm>>
        %dma_start3A_372 = tpu.memref_squeeze %dma_start3A_371 : memref<1x8x128xi32, #tpu.memory_space<hbm>> -> memref<8x128xi32, #tpu.memory_space<hbm>>
        %dma_start3A_373 = arith.constant 0 : i32
        %dma_start3A_374 = arith.constant 0 : i32
        %dma_start3A_375 = tpu.memref_slice %arg2[%add3A_368, %dma_start3A_373, %dma_start3A_374] : memref<3136x8x128xi32, #tpu.memory_space<hbm>> -> memref<1x8x128xi32, #tpu.memory_space<hbm>>
        %dma_start3A_376 = tpu.memref_squeeze %dma_start3A_375 : memref<1x8x128xi32, #tpu.memory_space<hbm>> -> memref<8x128xi32, #tpu.memory_space<hbm>>
        tpu.enqueue_dma source(%dma_start3A_376 : memref<8x128xi32, #tpu.memory_space<hbm>>) target(%arg6 : memref<8x128xi32, #tpu.memory_space<vmem>>) target_semaphore(%arg10 : memref<!tpu.dma_semaphore, #tpu.memory_space<semaphore_mem>>)
      } else {
      }
      %dma_wait3A_279 = arith.constant 0 : i32
      %dma_wait3A_280 = arith.constant 0 : i32
      %dma_wait3A_281 = arith.constant 0 : i32
      %dma_wait3A_282 = tpu.memref_slice %arg8[%dma_wait3A_279, %dma_wait3A_281] : memref<8x128xf32, #tpu.memory_space<vmem>> -> memref<1x128xf32, #tpu.memory_space<vmem>>
      %dma_wait3A_283 = tpu.memref_squeeze %dma_wait3A_282 : memref<1x128xf32, #tpu.memory_space<vmem>> -> memref<128xf32, #tpu.memory_space<vmem>>
      %dma_wait3A_284 = arith.constant 0 : i32
      %dma_wait3A_285 = tpu.memref_slice %arg7[%dma_wait3A_280, %dma_wait3A_284] : memref<8x128xi32, #tpu.memory_space<vmem>> -> memref<1x128xi32, #tpu.memory_space<vmem>>
      %dma_wait3A_286 = tpu.memref_squeeze %dma_wait3A_285 : memref<1x128xi32, #tpu.memory_space<vmem>> -> memref<128xi32, #tpu.memory_space<vmem>>
      %dma_wait3A_287 = arith.constant 0 : i32
      %dma_wait3A_288 = tpu.memref_slice %arg9[%dma_wait3A_287] : memref<102400xf32, #tpu.memory_space<vmem_shared>> -> memref<102400xf32, #tpu.memory_space<vmem_shared>>
      tpu.wait_indirect_dma semaphore(%arg12 : memref<!tpu.dma_semaphore, #tpu.memory_space<semaphore_mem>>) src(%dma_wait3A_283 : memref<128xf32, #tpu.memory_space<vmem>>) dst(%dma_wait3A_288 : memref<102400xf32, #tpu.memory_space<vmem_shared>>)
      %dma_wait3A_289 = arith.constant 1 : i32
      %dma_wait3A_290 = arith.constant 1 : i32
      %dma_wait3A_291 = arith.constant 0 : i32
      %dma_wait3A_292 = tpu.memref_slice %arg8[%dma_wait3A_289, %dma_wait3A_291] : memref<8x128xf32, #tpu.memory_space<vmem>> -> memref<1x128xf32, #tpu.memory_space<vmem>>
      %dma_wait3A_293 = tpu.memref_squeeze %dma_wait3A_292 : memref<1x128xf32, #tpu.memory_space<vmem>> -> memref<128xf32, #tpu.memory_space<vmem>>
      %dma_wait3A_294 = arith.constant 0 : i32
      %dma_wait3A_295 = tpu.memref_slice %arg7[%dma_wait3A_290, %dma_wait3A_294] : memref<8x128xi32, #tpu.memory_space<vmem>> -> memref<1x128xi32, #tpu.memory_space<vmem>>
      %dma_wait3A_296 = tpu.memref_squeeze %dma_wait3A_295 : memref<1x128xi32, #tpu.memory_space<vmem>> -> memref<128xi32, #tpu.memory_space<vmem>>
      %dma_wait3A_297 = arith.constant 0 : i32
      %dma_wait3A_298 = tpu.memref_slice %arg9[%dma_wait3A_297] : memref<102400xf32, #tpu.memory_space<vmem_shared>> -> memref<102400xf32, #tpu.memory_space<vmem_shared>>
      tpu.wait_indirect_dma semaphore(%arg12 : memref<!tpu.dma_semaphore, #tpu.memory_space<semaphore_mem>>) src(%dma_wait3A_293 : memref<128xf32, #tpu.memory_space<vmem>>) dst(%dma_wait3A_298 : memref<102400xf32, #tpu.memory_space<vmem_shared>>)
      %dma_wait3A_299 = arith.constant 2 : i32
      %dma_wait3A_300 = arith.constant 2 : i32
      %dma_wait3A_301 = arith.constant 0 : i32
      %dma_wait3A_302 = tpu.memref_slice %arg8[%dma_wait3A_299, %dma_wait3A_301] : memref<8x128xf32, #tpu.memory_space<vmem>> -> memref<1x128xf32, #tpu.memory_space<vmem>>
      %dma_wait3A_303 = tpu.memref_squeeze %dma_wait3A_302 : memref<1x128xf32, #tpu.memory_space<vmem>> -> memref<128xf32, #tpu.memory_space<vmem>>
      %dma_wait3A_304 = arith.constant 0 : i32
      %dma_wait3A_305 = tpu.memref_slice %arg7[%dma_wait3A_300, %dma_wait3A_304] : memref<8x128xi32, #tpu.memory_space<vmem>> -> memref<1x128xi32, #tpu.memory_space<vmem>>
      %dma_wait3A_306 = tpu.memref_squeeze %dma_wait3A_305 : memref<1x128xi32, #tpu.memory_space<vmem>> -> memref<128xi32, #tpu.memory_space<vmem>>
      %dma_wait3A_307 = arith.constant 0 : i32
      %dma_wait3A_308 = tpu.memref_slice %arg9[%dma_wait3A_307] : memref<102400xf32, #tpu.memory_space<vmem_shared>> -> memref<102400xf32, #tpu.memory_space<vmem_shared>>
      tpu.wait_indirect_dma semaphore(%arg12 : memref<!tpu.dma_semaphore, #tpu.memory_space<semaphore_mem>>) src(%dma_wait3A_303 : memref<128xf32, #tpu.memory_space<vmem>>) dst(%dma_wait3A_308 : memref<102400xf32, #tpu.memory_space<vmem_shared>>)
      %dma_wait3A_309 = arith.constant 3 : i32
      %dma_wait3A_310 = arith.constant 3 : i32
      %dma_wait3A_311 = arith.constant 0 : i32
      %dma_wait3A_312 = tpu.memref_slice %arg8[%dma_wait3A_309, %dma_wait3A_311] : memref<8x128xf32, #tpu.memory_space<vmem>> -> memref<1x128xf32, #tpu.memory_space<vmem>>
      %dma_wait3A_313 = tpu.memref_squeeze %dma_wait3A_312 : memref<1x128xf32, #tpu.memory_space<vmem>> -> memref<128xf32, #tpu.memory_space<vmem>>
      %dma_wait3A_314 = arith.constant 0 : i32
      %dma_wait3A_315 = tpu.memref_slice %arg7[%dma_wait3A_310, %dma_wait3A_314] : memref<8x128xi32, #tpu.memory_space<vmem>> -> memref<1x128xi32, #tpu.memory_space<vmem>>
      %dma_wait3A_316 = tpu.memref_squeeze %dma_wait3A_315 : memref<1x128xi32, #tpu.memory_space<vmem>> -> memref<128xi32, #tpu.memory_space<vmem>>
      %dma_wait3A_317 = arith.constant 0 : i32
      %dma_wait3A_318 = tpu.memref_slice %arg9[%dma_wait3A_317] : memref<102400xf32, #tpu.memory_space<vmem_shared>> -> memref<102400xf32, #tpu.memory_space<vmem_shared>>
      tpu.wait_indirect_dma semaphore(%arg12 : memref<!tpu.dma_semaphore, #tpu.memory_space<semaphore_mem>>) src(%dma_wait3A_313 : memref<128xf32, #tpu.memory_space<vmem>>) dst(%dma_wait3A_318 : memref<102400xf32, #tpu.memory_space<vmem_shared>>)
      %dma_wait3A_319 = arith.constant 4 : i32
      %dma_wait3A_320 = arith.constant 4 : i32
      %dma_wait3A_321 = arith.constant 0 : i32
      %dma_wait3A_322 = tpu.memref_slice %arg8[%dma_wait3A_319, %dma_wait3A_321] : memref<8x128xf32, #tpu.memory_space<vmem>> -> memref<1x128xf32, #tpu.memory_space<vmem>>
      %dma_wait3A_323 = tpu.memref_squeeze %dma_wait3A_322 : memref<1x128xf32, #tpu.memory_space<vmem>> -> memref<128xf32, #tpu.memory_space<vmem>>
      %dma_wait3A_324 = arith.constant 0 : i32
      %dma_wait3A_325 = tpu.memref_slice %arg7[%dma_wait3A_320, %dma_wait3A_324] : memref<8x128xi32, #tpu.memory_space<vmem>> -> memref<1x128xi32, #tpu.memory_space<vmem>>
      %dma_wait3A_326 = tpu.memref_squeeze %dma_wait3A_325 : memref<1x128xi32, #tpu.memory_space<vmem>> -> memref<128xi32, #tpu.memory_space<vmem>>
      %dma_wait3A_327 = arith.constant 0 : i32
      %dma_wait3A_328 = tpu.memref_slice %arg9[%dma_wait3A_327] : memref<102400xf32, #tpu.memory_space<vmem_shared>> -> memref<102400xf32, #tpu.memory_space<vmem_shared>>
      tpu.wait_indirect_dma semaphore(%arg12 : memref<!tpu.dma_semaphore, #tpu.memory_space<semaphore_mem>>) src(%dma_wait3A_323 : memref<128xf32, #tpu.memory_space<vmem>>) dst(%dma_wait3A_328 : memref<102400xf32, #tpu.memory_space<vmem_shared>>)
      %dma_wait3A_329 = arith.constant 5 : i32
      %dma_wait3A_330 = arith.constant 5 : i32
      %dma_wait3A_331 = arith.constant 0 : i32
      %dma_wait3A_332 = tpu.memref_slice %arg8[%dma_wait3A_329, %dma_wait3A_331] : memref<8x128xf32, #tpu.memory_space<vmem>> -> memref<1x128xf32, #tpu.memory_space<vmem>>
      %dma_wait3A_333 = tpu.memref_squeeze %dma_wait3A_332 : memref<1x128xf32, #tpu.memory_space<vmem>> -> memref<128xf32, #tpu.memory_space<vmem>>
      %dma_wait3A_334 = arith.constant 0 : i32
      %dma_wait3A_335 = tpu.memref_slice %arg7[%dma_wait3A_330, %dma_wait3A_334] : memref<8x128xi32, #tpu.memory_space<vmem>> -> memref<1x128xi32, #tpu.memory_space<vmem>>
      %dma_wait3A_336 = tpu.memref_squeeze %dma_wait3A_335 : memref<1x128xi32, #tpu.memory_space<vmem>> -> memref<128xi32, #tpu.memory_space<vmem>>
      %dma_wait3A_337 = arith.constant 0 : i32
      %dma_wait3A_338 = tpu.memref_slice %arg9[%dma_wait3A_337] : memref<102400xf32, #tpu.memory_space<vmem_shared>> -> memref<102400xf32, #tpu.memory_space<vmem_shared>>
      tpu.wait_indirect_dma semaphore(%arg12 : memref<!tpu.dma_semaphore, #tpu.memory_space<semaphore_mem>>) src(%dma_wait3A_333 : memref<128xf32, #tpu.memory_space<vmem>>) dst(%dma_wait3A_338 : memref<102400xf32, #tpu.memory_space<vmem_shared>>)
      %dma_wait3A_339 = arith.constant 6 : i32
      %dma_wait3A_340 = arith.constant 6 : i32
      %dma_wait3A_341 = arith.constant 0 : i32
      %dma_wait3A_342 = tpu.memref_slice %arg8[%dma_wait3A_339, %dma_wait3A_341] : memref<8x128xf32, #tpu.memory_space<vmem>> -> memref<1x128xf32, #tpu.memory_space<vmem>>
      %dma_wait3A_343 = tpu.memref_squeeze %dma_wait3A_342 : memref<1x128xf32, #tpu.memory_space<vmem>> -> memref<128xf32, #tpu.memory_space<vmem>>
      %dma_wait3A_344 = arith.constant 0 : i32
      %dma_wait3A_345 = tpu.memref_slice %arg7[%dma_wait3A_340, %dma_wait3A_344] : memref<8x128xi32, #tpu.memory_space<vmem>> -> memref<1x128xi32, #tpu.memory_space<vmem>>
      %dma_wait3A_346 = tpu.memref_squeeze %dma_wait3A_345 : memref<1x128xi32, #tpu.memory_space<vmem>> -> memref<128xi32, #tpu.memory_space<vmem>>
      %dma_wait3A_347 = arith.constant 0 : i32
      %dma_wait3A_348 = tpu.memref_slice %arg9[%dma_wait3A_347] : memref<102400xf32, #tpu.memory_space<vmem_shared>> -> memref<102400xf32, #tpu.memory_space<vmem_shared>>
      tpu.wait_indirect_dma semaphore(%arg12 : memref<!tpu.dma_semaphore, #tpu.memory_space<semaphore_mem>>) src(%dma_wait3A_343 : memref<128xf32, #tpu.memory_space<vmem>>) dst(%dma_wait3A_348 : memref<102400xf32, #tpu.memory_space<vmem_shared>>)
      %dma_wait3A_349 = arith.constant 7 : i32
      %dma_wait3A_350 = arith.constant 7 : i32
      %dma_wait3A_351 = arith.constant 0 : i32
      %dma_wait3A_352 = tpu.memref_slice %arg8[%dma_wait3A_349, %dma_wait3A_351] : memref<8x128xf32, #tpu.memory_space<vmem>> -> memref<1x128xf32, #tpu.memory_space<vmem>>
      %dma_wait3A_353 = tpu.memref_squeeze %dma_wait3A_352 : memref<1x128xf32, #tpu.memory_space<vmem>> -> memref<128xf32, #tpu.memory_space<vmem>>
      %dma_wait3A_354 = arith.constant 0 : i32
      %dma_wait3A_355 = tpu.memref_slice %arg7[%dma_wait3A_350, %dma_wait3A_354] : memref<8x128xi32, #tpu.memory_space<vmem>> -> memref<1x128xi32, #tpu.memory_space<vmem>>
      %dma_wait3A_356 = tpu.memref_squeeze %dma_wait3A_355 : memref<1x128xi32, #tpu.memory_space<vmem>> -> memref<128xi32, #tpu.memory_space<vmem>>
      %dma_wait3A_357 = arith.constant 0 : i32
      %dma_wait3A_358 = tpu.memref_slice %arg9[%dma_wait3A_357] : memref<102400xf32, #tpu.memory_space<vmem_shared>> -> memref<102400xf32, #tpu.memory_space<vmem_shared>>
      tpu.wait_indirect_dma semaphore(%arg12 : memref<!tpu.dma_semaphore, #tpu.memory_space<semaphore_mem>>) src(%dma_wait3A_353 : memref<128xf32, #tpu.memory_space<vmem>>) dst(%dma_wait3A_358 : memref<102400xf32, #tpu.memory_space<vmem_shared>>)
      %lt3A_359 = arith.constant 48 : i32
      %lt3A_360 = arith.cmpi slt, %scan3A_17, %lt3A_359 : i32
      %convert_element_type3A_361 = arith.extui %lt3A_360 : i1 to i32
      %cond3A_362 = arith.constant 0 : i32
      %cond3A_363 = arith.cmpi ne, %convert_element_type3A_361, %cond3A_362 : i32
      scf.if %cond3A_363 {
        %dma_wait3A_364 = arith.constant 0 : i32
        %dma_wait3A_365 = arith.constant 0 : i32
        %dma_wait3A_366 = tpu.memref_slice %arg2[%mul3A_2, %dma_wait3A_364, %dma_wait3A_365] : memref<3136x8x128xi32, #tpu.memory_space<hbm>> -> memref<1x8x128xi32, #tpu.memory_space<hbm>>
        %dma_wait3A_367 = tpu.memref_squeeze %dma_wait3A_366 : memref<1x8x128xi32, #tpu.memory_space<hbm>> -> memref<8x128xi32, #tpu.memory_space<hbm>>
        %dma_wait3A_368 = arith.constant 0 : i32
        %dma_wait3A_369 = arith.constant 0 : i32
        %dma_wait3A_370 = tpu.memref_slice %arg2[%mul3A_2, %dma_wait3A_368, %dma_wait3A_369] : memref<3136x8x128xi32, #tpu.memory_space<hbm>> -> memref<1x8x128xi32, #tpu.memory_space<hbm>>
        %dma_wait3A_371 = tpu.memref_squeeze %dma_wait3A_370 : memref<1x8x128xi32, #tpu.memory_space<hbm>> -> memref<8x128xi32, #tpu.memory_space<hbm>>
        tpu.wait_dma2 semaphore(%arg10 : memref<!tpu.dma_semaphore, #tpu.memory_space<semaphore_mem>>) src(%dma_wait3A_371 : memref<8x128xi32, #tpu.memory_space<hbm>>) dst(%arg6 : memref<8x128xi32, #tpu.memory_space<vmem>>)
      } else {
      }
    }
    %scan3A_11 = arith.constant 49 : i32
    %barrier3A_12 = arith.constant 0 : index
    tpu.barrier barrier_id(%barrier3A_12)
    %mul3A_13 = arith.constant 6400 : i32
    %mul3A_14 = arith.muli %arg1, %mul3A_13 : i32
    %mul3A_15 = arith.constant 6400 : i32
    %mul3A_16 = arith.muli %arg1, %mul3A_15 : i32
    "tpu.region"() ({
      %run_scoped3A = tpu.sem_alloc : memref<!tpu.dma_semaphore, #tpu.memory_space<semaphore_mem>>
      %dma_start3A = tpu.memref_slice %arg5[%arg0, %mul3A_16] : memref<2x102400xf32, #tpu.memory_space<hbm>> -> memref<1x6400xf32, #tpu.memory_space<hbm>>
      %dma_start3A_17 = tpu.memref_squeeze %dma_start3A : memref<1x6400xf32, #tpu.memory_space<hbm>> -> memref<6400xf32, #tpu.memory_space<hbm>>
      %dma_start3A_18 = tpu.memref_slice %arg9[%mul3A_14] : memref<102400xf32, #tpu.memory_space<vmem_shared>> -> memref<6400xf32, #tpu.memory_space<vmem_shared>>
      tpu.enqueue_dma source(%dma_start3A_18 : memref<6400xf32, #tpu.memory_space<vmem_shared>>) target(%dma_start3A_17 : memref<6400xf32, #tpu.memory_space<hbm>>) target_semaphore(%run_scoped3A : memref<!tpu.dma_semaphore, #tpu.memory_space<semaphore_mem>>)
      %dma_wait3A = tpu.memref_slice %arg5[%arg0, %mul3A_16] : memref<2x102400xf32, #tpu.memory_space<hbm>> -> memref<1x6400xf32, #tpu.memory_space<hbm>>
      %dma_wait3A_19 = tpu.memref_squeeze %dma_wait3A : memref<1x6400xf32, #tpu.memory_space<hbm>> -> memref<6400xf32, #tpu.memory_space<hbm>>
      %dma_wait3A_20 = tpu.memref_slice %arg9[%mul3A_14] : memref<102400xf32, #tpu.memory_space<vmem_shared>> -> memref<6400xf32, #tpu.memory_space<vmem_shared>>
      tpu.wait_dma2 semaphore(%run_scoped3A : memref<!tpu.dma_semaphore, #tpu.memory_space<semaphore_mem>>) src(%dma_wait3A_20 : memref<6400xf32, #tpu.memory_space<vmem_shared>>) dst(%dma_wait3A_19 : memref<6400xf32, #tpu.memory_space<hbm>>)
      tpu.yield
    }) : () -> ()
    return
  }
}

#map = affine_map<(d0, d1) -> (0, 0, 0, 0)>
#map1 = affine_map<(d0, d1) -> (0, 0, 0)>
#map2 = affine_map<(d0, d1) -> (0)>
#map3 = affine_map<(d0, d1) -> (0, 0)>
module attributes {stable_mosaic.version = 14 : i64} {
  func.func @_gsum_body(%arg0: i32, %arg1: i32, %arg2: memref<2x32x25x128xf32, #tpu.memory_space<hbm>>, %arg3: memref<32x25x128xi32, #tpu.memory_space<hbm>>, %arg4: memref<102400xf32, #tpu.memory_space<hbm>>, %arg5: memref<4x128xf32, #tpu.memory_space<hbm>>, %arg6: memref<25x128xf32, #tpu.memory_space<vmem>>, %arg7: memref<25x128xf32, #tpu.memory_space<vmem>>, %arg8: memref<25x128xf32, #tpu.memory_space<vmem>>, %arg9: memref<25x128xf32, #tpu.memory_space<vmem>>, %arg10: memref<25x128xi32, #tpu.memory_space<vmem>>, %arg11: memref<256xf32, #tpu.memory_space<vmem_shared>>, %arg12: memref<256xf32, #tpu.memory_space<vmem_shared>>) attributes {dimension_semantics = [#tpu.dimension_semantics<core_parallel>, #tpu.dimension_semantics<subcore_parallel>], iteration_bounds = array<i64: 2, 16>, scalar_prefetch = 0 : i64, scratch_operands = 7 : i64, tpu.core_type = #tpu.core_type<sc_vector_subcore>, window_params = [{transform_indices = #map}, {transform_indices = #map1}, {transform_indices = #map2}, {transform_indices = #map3}]} {
    %mul3A = arith.constant 2 : i32
    %mul3A_0 = arith.muli %arg1, %mul3A : i32
    %add3A = arith.addi %mul3A_0, %arg0 : i32
    %eq3A = arith.constant 0 : i32
    %eq3A_1 = arith.cmpi eq, %arg1, %eq3A : i32
    %convert_element_type3A = arith.extui %eq3A_1 : i1 to i32
    %cond3A = arith.constant 0 : i32
    %cond3A_2 = arith.cmpi ne, %convert_element_type3A, %cond3A : i32
    scf.if %cond3A_2 {
      "tpu.region"() ({
        %run_scoped3A_21 = tpu.sem_alloc : memref<!tpu.dma_semaphore, #tpu.memory_space<semaphore_mem>>
        %dma_start3A = arith.constant 0 : i32
        %dma_start3A_22 = tpu.memref_slice %arg4[%dma_start3A] : memref<102400xf32, #tpu.memory_space<hbm>> -> memref<256xf32, #tpu.memory_space<hbm>>
        tpu.enqueue_dma source(%dma_start3A_22 : memref<256xf32, #tpu.memory_space<hbm>>) target(%arg11 : memref<256xf32, #tpu.memory_space<vmem_shared>>) target_semaphore(%run_scoped3A_21 : memref<!tpu.dma_semaphore, #tpu.memory_space<semaphore_mem>>)
        %dma_wait3A = arith.constant 0 : i32
        %dma_wait3A_23 = tpu.memref_slice %arg4[%dma_wait3A] : memref<102400xf32, #tpu.memory_space<hbm>> -> memref<256xf32, #tpu.memory_space<hbm>>
        tpu.wait_dma2 semaphore(%run_scoped3A_21 : memref<!tpu.dma_semaphore, #tpu.memory_space<semaphore_mem>>) src(%dma_wait3A_23 : memref<256xf32, #tpu.memory_space<hbm>>) dst(%arg11 : memref<256xf32, #tpu.memory_space<vmem_shared>>)
        tpu.yield
      }) : () -> ()
      "tpu.region"() ({
        %run_scoped3A_21 = tpu.sem_alloc : memref<!tpu.dma_semaphore, #tpu.memory_space<semaphore_mem>>
        %dma_start3A = arith.constant 0 : i32
        %dma_start3A_22 = tpu.memref_slice %arg4[%dma_start3A] : memref<102400xf32, #tpu.memory_space<hbm>> -> memref<256xf32, #tpu.memory_space<hbm>>
        tpu.enqueue_dma source(%dma_start3A_22 : memref<256xf32, #tpu.memory_space<hbm>>) target(%arg12 : memref<256xf32, #tpu.memory_space<vmem_shared>>) target_semaphore(%run_scoped3A_21 : memref<!tpu.dma_semaphore, #tpu.memory_space<semaphore_mem>>)
        %dma_wait3A = arith.constant 0 : i32
        %dma_wait3A_23 = tpu.memref_slice %arg4[%dma_wait3A] : memref<102400xf32, #tpu.memory_space<hbm>> -> memref<256xf32, #tpu.memory_space<hbm>>
        tpu.wait_dma2 semaphore(%run_scoped3A_21 : memref<!tpu.dma_semaphore, #tpu.memory_space<semaphore_mem>>) src(%dma_wait3A_23 : memref<256xf32, #tpu.memory_space<hbm>>) dst(%arg12 : memref<256xf32, #tpu.memory_space<vmem_shared>>)
        tpu.yield
      }) : () -> ()
    } else {
    }
    %run_scoped3A = arith.constant 0 : i32
    "tpu.region"() ({
      %run_scoped3A_21 = tpu.sem_alloc : memref<!tpu.dma_semaphore, #tpu.memory_space<semaphore_mem>>
      %dma_start3A = arith.constant 0 : i32
      %dma_start3A_22 = arith.constant 0 : i32
      %dma_start3A_23 = tpu.memref_slice %arg2[%run_scoped3A, %add3A, %dma_start3A, %dma_start3A_22] : memref<2x32x25x128xf32, #tpu.memory_space<hbm>> -> memref<1x1x25x128xf32, #tpu.memory_space<hbm>>
      %dma_start3A_24 = tpu.memref_squeeze %dma_start3A_23 : memref<1x1x25x128xf32, #tpu.memory_space<hbm>> -> memref<25x128xf32, #tpu.memory_space<hbm>>
      %dma_start3A_25 = arith.constant 0 : i32
      %dma_start3A_26 = arith.constant 0 : i32
      %dma_start3A_27 = tpu.memref_slice %arg2[%run_scoped3A, %add3A, %dma_start3A_25, %dma_start3A_26] : memref<2x32x25x128xf32, #tpu.memory_space<hbm>> -> memref<1x1x25x128xf32, #tpu.memory_space<hbm>>
      %dma_start3A_28 = tpu.memref_squeeze %dma_start3A_27 : memref<1x1x25x128xf32, #tpu.memory_space<hbm>> -> memref<25x128xf32, #tpu.memory_space<hbm>>
      tpu.enqueue_dma source(%dma_start3A_28 : memref<25x128xf32, #tpu.memory_space<hbm>>) target(%arg6 : memref<25x128xf32, #tpu.memory_space<vmem>>) target_semaphore(%run_scoped3A_21 : memref<!tpu.dma_semaphore, #tpu.memory_space<semaphore_mem>>)
      %dma_wait3A = arith.constant 0 : i32
      %dma_wait3A_29 = arith.constant 0 : i32
      %dma_wait3A_30 = tpu.memref_slice %arg2[%run_scoped3A, %add3A, %dma_wait3A, %dma_wait3A_29] : memref<2x32x25x128xf32, #tpu.memory_space<hbm>> -> memref<1x1x25x128xf32, #tpu.memory_space<hbm>>
      %dma_wait3A_31 = tpu.memref_squeeze %dma_wait3A_30 : memref<1x1x25x128xf32, #tpu.memory_space<hbm>> -> memref<25x128xf32, #tpu.memory_space<hbm>>
      %dma_wait3A_32 = arith.constant 0 : i32
      %dma_wait3A_33 = arith.constant 0 : i32
      %dma_wait3A_34 = tpu.memref_slice %arg2[%run_scoped3A, %add3A, %dma_wait3A_32, %dma_wait3A_33] : memref<2x32x25x128xf32, #tpu.memory_space<hbm>> -> memref<1x1x25x128xf32, #tpu.memory_space<hbm>>
      %dma_wait3A_35 = tpu.memref_squeeze %dma_wait3A_34 : memref<1x1x25x128xf32, #tpu.memory_space<hbm>> -> memref<25x128xf32, #tpu.memory_space<hbm>>
      tpu.wait_dma2 semaphore(%run_scoped3A_21 : memref<!tpu.dma_semaphore, #tpu.memory_space<semaphore_mem>>) src(%dma_wait3A_35 : memref<25x128xf32, #tpu.memory_space<hbm>>) dst(%arg6 : memref<25x128xf32, #tpu.memory_space<vmem>>)
      tpu.yield
    }) : () -> ()
    %run_scoped3A_3 = arith.constant 1 : i32
    "tpu.region"() ({
      %run_scoped3A_21 = tpu.sem_alloc : memref<!tpu.dma_semaphore, #tpu.memory_space<semaphore_mem>>
      %dma_start3A = arith.constant 0 : i32
      %dma_start3A_22 = arith.constant 0 : i32
      %dma_start3A_23 = tpu.memref_slice %arg2[%run_scoped3A_3, %add3A, %dma_start3A, %dma_start3A_22] : memref<2x32x25x128xf32, #tpu.memory_space<hbm>> -> memref<1x1x25x128xf32, #tpu.memory_space<hbm>>
      %dma_start3A_24 = tpu.memref_squeeze %dma_start3A_23 : memref<1x1x25x128xf32, #tpu.memory_space<hbm>> -> memref<25x128xf32, #tpu.memory_space<hbm>>
      %dma_start3A_25 = arith.constant 0 : i32
      %dma_start3A_26 = arith.constant 0 : i32
      %dma_start3A_27 = tpu.memref_slice %arg2[%run_scoped3A_3, %add3A, %dma_start3A_25, %dma_start3A_26] : memref<2x32x25x128xf32, #tpu.memory_space<hbm>> -> memref<1x1x25x128xf32, #tpu.memory_space<hbm>>
      %dma_start3A_28 = tpu.memref_squeeze %dma_start3A_27 : memref<1x1x25x128xf32, #tpu.memory_space<hbm>> -> memref<25x128xf32, #tpu.memory_space<hbm>>
      tpu.enqueue_dma source(%dma_start3A_28 : memref<25x128xf32, #tpu.memory_space<hbm>>) target(%arg7 : memref<25x128xf32, #tpu.memory_space<vmem>>) target_semaphore(%run_scoped3A_21 : memref<!tpu.dma_semaphore, #tpu.memory_space<semaphore_mem>>)
      %dma_wait3A = arith.constant 0 : i32
      %dma_wait3A_29 = arith.constant 0 : i32
      %dma_wait3A_30 = tpu.memref_slice %arg2[%run_scoped3A_3, %add3A, %dma_wait3A, %dma_wait3A_29] : memref<2x32x25x128xf32, #tpu.memory_space<hbm>> -> memref<1x1x25x128xf32, #tpu.memory_space<hbm>>
      %dma_wait3A_31 = tpu.memref_squeeze %dma_wait3A_30 : memref<1x1x25x128xf32, #tpu.memory_space<hbm>> -> memref<25x128xf32, #tpu.memory_space<hbm>>
      %dma_wait3A_32 = arith.constant 0 : i32
      %dma_wait3A_33 = arith.constant 0 : i32
      %dma_wait3A_34 = tpu.memref_slice %arg2[%run_scoped3A_3, %add3A, %dma_wait3A_32, %dma_wait3A_33] : memref<2x32x25x128xf32, #tpu.memory_space<hbm>> -> memref<1x1x25x128xf32, #tpu.memory_space<hbm>>
      %dma_wait3A_35 = tpu.memref_squeeze %dma_wait3A_34 : memref<1x1x25x128xf32, #tpu.memory_space<hbm>> -> memref<25x128xf32, #tpu.memory_space<hbm>>
      tpu.wait_dma2 semaphore(%run_scoped3A_21 : memref<!tpu.dma_semaphore, #tpu.memory_space<semaphore_mem>>) src(%dma_wait3A_35 : memref<25x128xf32, #tpu.memory_space<hbm>>) dst(%arg7 : memref<25x128xf32, #tpu.memory_space<vmem>>)
      tpu.yield
    }) : () -> ()
    "tpu.region"() ({
      %run_scoped3A_21 = tpu.sem_alloc : memref<!tpu.dma_semaphore, #tpu.memory_space<semaphore_mem>>
      %dma_start3A = arith.constant 0 : i32
      %dma_start3A_22 = arith.constant 0 : i32
      %dma_start3A_23 = tpu.memref_slice %arg3[%add3A, %dma_start3A, %dma_start3A_22] : memref<32x25x128xi32, #tpu.memory_space<hbm>> -> memref<1x25x128xi32, #tpu.memory_space<hbm>>
      %dma_start3A_24 = tpu.memref_squeeze %dma_start3A_23 : memref<1x25x128xi32, #tpu.memory_space<hbm>> -> memref<25x128xi32, #tpu.memory_space<hbm>>
      %dma_start3A_25 = arith.constant 0 : i32
      %dma_start3A_26 = arith.constant 0 : i32
      %dma_start3A_27 = tpu.memref_slice %arg3[%add3A, %dma_start3A_25, %dma_start3A_26] : memref<32x25x128xi32, #tpu.memory_space<hbm>> -> memref<1x25x128xi32, #tpu.memory_space<hbm>>
      %dma_start3A_28 = tpu.memref_squeeze %dma_start3A_27 : memref<1x25x128xi32, #tpu.memory_space<hbm>> -> memref<25x128xi32, #tpu.memory_space<hbm>>
      tpu.enqueue_dma source(%dma_start3A_28 : memref<25x128xi32, #tpu.memory_space<hbm>>) target(%arg10 : memref<25x128xi32, #tpu.memory_space<vmem>>) target_semaphore(%run_scoped3A_21 : memref<!tpu.dma_semaphore, #tpu.memory_space<semaphore_mem>>)
      %dma_wait3A = arith.constant 0 : i32
      %dma_wait3A_29 = arith.constant 0 : i32
      %dma_wait3A_30 = tpu.memref_slice %arg3[%add3A, %dma_wait3A, %dma_wait3A_29] : memref<32x25x128xi32, #tpu.memory_space<hbm>> -> memref<1x25x128xi32, #tpu.memory_space<hbm>>
      %dma_wait3A_31 = tpu.memref_squeeze %dma_wait3A_30 : memref<1x25x128xi32, #tpu.memory_space<hbm>> -> memref<25x128xi32, #tpu.memory_space<hbm>>
      %dma_wait3A_32 = arith.constant 0 : i32
      %dma_wait3A_33 = arith.constant 0 : i32
      %dma_wait3A_34 = tpu.memref_slice %arg3[%add3A, %dma_wait3A_32, %dma_wait3A_33] : memref<32x25x128xi32, #tpu.memory_space<hbm>> -> memref<1x25x128xi32, #tpu.memory_space<hbm>>
      %dma_wait3A_35 = tpu.memref_squeeze %dma_wait3A_34 : memref<1x25x128xi32, #tpu.memory_space<hbm>> -> memref<25x128xi32, #tpu.memory_space<hbm>>
      tpu.wait_dma2 semaphore(%run_scoped3A_21 : memref<!tpu.dma_semaphore, #tpu.memory_space<semaphore_mem>>) src(%dma_wait3A_35 : memref<25x128xi32, #tpu.memory_space<hbm>>) dst(%arg10 : memref<25x128xi32, #tpu.memory_space<vmem>>)
      tpu.yield
    }) : () -> ()
    %scan3A = arith.constant 0 : i32
    %scan3A_4 = arith.constant 0 : i32
    %scan3A_5 = arith.constant 25 : i32
    %scan3A_6 = arith.addi %scan3A_4, %scan3A_5 : i32
    %scan3A_7 = arith.constant 1 : i32
    scf.for %scan3A_21 = %scan3A_4 to %scan3A_6 step %scan3A_7  : i32 {
      %get3A = arith.index_cast %scan3A_21 : i32 to index
      %get3A_22 = arith.constant 0 : index
      %get3A_23 = tpu.vector_load %arg6[%get3A, %get3A_22] {strides = array<i32>} : memref<25x128xf32, #tpu.memory_space<vmem>>, vector<1x16xf32>,
      %get3A_24 = vector.shape_cast %get3A_23 : vector<1x16xf32> to vector<16xf32>
      %get3A_25 = arith.index_cast %scan3A_21 : i32 to index
      %get3A_26 = arith.constant 0 : index
      %get3A_27 = tpu.vector_load %arg7[%get3A_25, %get3A_26] {strides = array<i32>} : memref<25x128xf32, #tpu.memory_space<vmem>>, vector<1x16xf32>,
      %get3A_28 = vector.shape_cast %get3A_27 : vector<1x16xf32> to vector<16xf32>
      %add3A_29 = arith.addf %get3A_24, %get3A_28 : vector<16xf32>
      %swap3A = arith.index_cast %scan3A_21 : i32 to index
      %swap3A_30 = arith.constant 0 : index
      %swap3A_31 = tpu.vector_load %arg8[%swap3A, %swap3A_30] {strides = array<i32>} : memref<25x128xf32, #tpu.memory_space<vmem>>, vector<1x16xf32>,
      %swap3A_32 = vector.shape_cast %swap3A_31 : vector<1x16xf32> to vector<16xf32>
      %swap3A_33 = vector.shape_cast %add3A_29 : vector<16xf32> to vector<1x16xf32>
      tpu.vector_store %arg8[%swap3A, %swap3A_30], %swap3A_33 {strides = array<i32>} : memref<25x128xf32, #tpu.memory_space<vmem>>, vector<1x16xf32>,
      %mul3A_34 = arith.mulf %add3A_29, %add3A_29 : vector<16xf32>
      %swap3A_35 = arith.index_cast %scan3A_21 : i32 to index
      %swap3A_36 = arith.constant 0 : index
      %swap3A_37 = tpu.vector_load %arg9[%swap3A_35, %swap3A_36] {strides = array<i32>} : memref<25x128xf32, #tpu.memory_space<vmem>>, vector<1x16xf32>,
      %swap3A_38 = vector.shape_cast %swap3A_37 : vector<1x16xf32> to vector<16xf32>
      %swap3A_39 = vector.shape_cast %mul3A_34 : vector<16xf32> to vector<1x16xf32>
      tpu.vector_store %arg9[%swap3A_35, %swap3A_36], %swap3A_39 {strides = array<i32>} : memref<25x128xf32, #tpu.memory_space<vmem>>, vector<1x16xf32>,
      %get3A_40 = arith.index_cast %scan3A_21 : i32 to index
      %get3A_41 = arith.constant 16 : index
      %get3A_42 = tpu.vector_load %arg6[%get3A_40, %get3A_41] {strides = array<i32>} : memref<25x128xf32, #tpu.memory_space<vmem>>, vector<1x16xf32>,
      %get3A_43 = vector.shape_cast %get3A_42 : vector<1x16xf32> to vector<16xf32>
      %get3A_44 = arith.index_cast %scan3A_21 : i32 to index
      %get3A_45 = arith.constant 16 : index
      %get3A_46 = tpu.vector_load %arg7[%get3A_44, %get3A_45] {strides = array<i32>} : memref<25x128xf32, #tpu.memory_space<vmem>>, vector<1x16xf32>,
      %get3A_47 = vector.shape_cast %get3A_46 : vector<1x16xf32> to vector<16xf32>
      %add3A_48 = arith.addf %get3A_43, %get3A_47 : vector<16xf32>
      %swap3A_49 = arith.index_cast %scan3A_21 : i32 to index
      %swap3A_50 = arith.constant 16 : index
      %swap3A_51 = tpu.vector_load %arg8[%swap3A_49, %swap3A_50] {strides = array<i32>} : memref<25x128xf32, #tpu.memory_space<vmem>>, vector<1x16xf32>,
      %swap3A_52 = vector.shape_cast %swap3A_51 : vector<1x16xf32> to vector<16xf32>
      %swap3A_53 = vector.shape_cast %add3A_48 : vector<16xf32> to vector<1x16xf32>
      tpu.vector_store %arg8[%swap3A_49, %swap3A_50], %swap3A_53 {strides = array<i32>} : memref<25x128xf32, #tpu.memory_space<vmem>>, vector<1x16xf32>,
      %mul3A_54 = arith.mulf %add3A_48, %add3A_48 : vector<16xf32>
      %swap3A_55 = arith.index_cast %scan3A_21 : i32 to index
      %swap3A_56 = arith.constant 16 : index
      %swap3A_57 = tpu.vector_load %arg9[%swap3A_55, %swap3A_56] {strides = array<i32>} : memref<25x128xf32, #tpu.memory_space<vmem>>, vector<1x16xf32>,
      %swap3A_58 = vector.shape_cast %swap3A_57 : vector<1x16xf32> to vector<16xf32>
      %swap3A_59 = vector.shape_cast %mul3A_54 : vector<16xf32> to vector<1x16xf32>
      tpu.vector_store %arg9[%swap3A_55, %swap3A_56], %swap3A_59 {strides = array<i32>} : memref<25x128xf32, #tpu.memory_space<vmem>>, vector<1x16xf32>,
      %get3A_60 = arith.index_cast %scan3A_21 : i32 to index
      %get3A_61 = arith.constant 32 : index
      %get3A_62 = tpu.vector_load %arg6[%get3A_60, %get3A_61] {strides = array<i32>} : memref<25x128xf32, #tpu.memory_space<vmem>>, vector<1x16xf32>,
      %get3A_63 = vector.shape_cast %get3A_62 : vector<1x16xf32> to vector<16xf32>
      %get3A_64 = arith.index_cast %scan3A_21 : i32 to index
      %get3A_65 = arith.constant 32 : index
      %get3A_66 = tpu.vector_load %arg7[%get3A_64, %get3A_65] {strides = array<i32>} : memref<25x128xf32, #tpu.memory_space<vmem>>, vector<1x16xf32>,
      %get3A_67 = vector.shape_cast %get3A_66 : vector<1x16xf32> to vector<16xf32>
      %add3A_68 = arith.addf %get3A_63, %get3A_67 : vector<16xf32>
      %swap3A_69 = arith.index_cast %scan3A_21 : i32 to index
      %swap3A_70 = arith.constant 32 : index
      %swap3A_71 = tpu.vector_load %arg8[%swap3A_69, %swap3A_70] {strides = array<i32>} : memref<25x128xf32, #tpu.memory_space<vmem>>, vector<1x16xf32>,
      %swap3A_72 = vector.shape_cast %swap3A_71 : vector<1x16xf32> to vector<16xf32>
      %swap3A_73 = vector.shape_cast %add3A_68 : vector<16xf32> to vector<1x16xf32>
      tpu.vector_store %arg8[%swap3A_69, %swap3A_70], %swap3A_73 {strides = array<i32>} : memref<25x128xf32, #tpu.memory_space<vmem>>, vector<1x16xf32>,
      %mul3A_74 = arith.mulf %add3A_68, %add3A_68 : vector<16xf32>
      %swap3A_75 = arith.index_cast %scan3A_21 : i32 to index
      %swap3A_76 = arith.constant 32 : index
      %swap3A_77 = tpu.vector_load %arg9[%swap3A_75, %swap3A_76] {strides = array<i32>} : memref<25x128xf32, #tpu.memory_space<vmem>>, vector<1x16xf32>,
      %swap3A_78 = vector.shape_cast %swap3A_77 : vector<1x16xf32> to vector<16xf32>
      %swap3A_79 = vector.shape_cast %mul3A_74 : vector<16xf32> to vector<1x16xf32>
      tpu.vector_store %arg9[%swap3A_75, %swap3A_76], %swap3A_79 {strides = array<i32>} : memref<25x128xf32, #tpu.memory_space<vmem>>, vector<1x16xf32>,
      %get3A_80 = arith.index_cast %scan3A_21 : i32 to index
      %get3A_81 = arith.constant 48 : index
      %get3A_82 = tpu.vector_load %arg6[%get3A_80, %get3A_81] {strides = array<i32>} : memref<25x128xf32, #tpu.memory_space<vmem>>, vector<1x16xf32>,
      %get3A_83 = vector.shape_cast %get3A_82 : vector<1x16xf32> to vector<16xf32>
      %get3A_84 = arith.index_cast %scan3A_21 : i32 to index
      %get3A_85 = arith.constant 48 : index
      %get3A_86 = tpu.vector_load %arg7[%get3A_84, %get3A_85] {strides = array<i32>} : memref<25x128xf32, #tpu.memory_space<vmem>>, vector<1x16xf32>,
      %get3A_87 = vector.shape_cast %get3A_86 : vector<1x16xf32> to vector<16xf32>
      %add3A_88 = arith.addf %get3A_83, %get3A_87 : vector<16xf32>
      %swap3A_89 = arith.index_cast %scan3A_21 : i32 to index
      %swap3A_90 = arith.constant 48 : index
      %swap3A_91 = tpu.vector_load %arg8[%swap3A_89, %swap3A_90] {strides = array<i32>} : memref<25x128xf32, #tpu.memory_space<vmem>>, vector<1x16xf32>,
      %swap3A_92 = vector.shape_cast %swap3A_91 : vector<1x16xf32> to vector<16xf32>
      %swap3A_93 = vector.shape_cast %add3A_88 : vector<16xf32> to vector<1x16xf32>
      tpu.vector_store %arg8[%swap3A_89, %swap3A_90], %swap3A_93 {strides = array<i32>} : memref<25x128xf32, #tpu.memory_space<vmem>>, vector<1x16xf32>,
      %mul3A_94 = arith.mulf %add3A_88, %add3A_88 : vector<16xf32>
      %swap3A_95 = arith.index_cast %scan3A_21 : i32 to index
      %swap3A_96 = arith.constant 48 : index
      %swap3A_97 = tpu.vector_load %arg9[%swap3A_95, %swap3A_96] {strides = array<i32>} : memref<25x128xf32, #tpu.memory_space<vmem>>, vector<1x16xf32>,
      %swap3A_98 = vector.shape_cast %swap3A_97 : vector<1x16xf32> to vector<16xf32>
      %swap3A_99 = vector.shape_cast %mul3A_94 : vector<16xf32> to vector<1x16xf32>
      tpu.vector_store %arg9[%swap3A_95, %swap3A_96], %swap3A_99 {strides = array<i32>} : memref<25x128xf32, #tpu.memory_space<vmem>>, vector<1x16xf32>,
      %get3A_100 = arith.index_cast %scan3A_21 : i32 to index
      %get3A_101 = arith.constant 64 : index
      %get3A_102 = tpu.vector_load %arg6[%get3A_100, %get3A_101] {strides = array<i32>} : memref<25x128xf32, #tpu.memory_space<vmem>>, vector<1x16xf32>,
      %get3A_103 = vector.shape_cast %get3A_102 : vector<1x16xf32> to vector<16xf32>
      %get3A_104 = arith.index_cast %scan3A_21 : i32 to index
      %get3A_105 = arith.constant 64 : index
      %get3A_106 = tpu.vector_load %arg7[%get3A_104, %get3A_105] {strides = array<i32>} : memref<25x128xf32, #tpu.memory_space<vmem>>, vector<1x16xf32>,
      %get3A_107 = vector.shape_cast %get3A_106 : vector<1x16xf32> to vector<16xf32>
      %add3A_108 = arith.addf %get3A_103, %get3A_107 : vector<16xf32>
      %swap3A_109 = arith.index_cast %scan3A_21 : i32 to index
      %swap3A_110 = arith.constant 64 : index
      %swap3A_111 = tpu.vector_load %arg8[%swap3A_109, %swap3A_110] {strides = array<i32>} : memref<25x128xf32, #tpu.memory_space<vmem>>, vector<1x16xf32>,
      %swap3A_112 = vector.shape_cast %swap3A_111 : vector<1x16xf32> to vector<16xf32>
      %swap3A_113 = vector.shape_cast %add3A_108 : vector<16xf32> to vector<1x16xf32>
      tpu.vector_store %arg8[%swap3A_109, %swap3A_110], %swap3A_113 {strides = array<i32>} : memref<25x128xf32, #tpu.memory_space<vmem>>, vector<1x16xf32>,
      %mul3A_114 = arith.mulf %add3A_108, %add3A_108 : vector<16xf32>
      %swap3A_115 = arith.index_cast %scan3A_21 : i32 to index
      %swap3A_116 = arith.constant 64 : index
      %swap3A_117 = tpu.vector_load %arg9[%swap3A_115, %swap3A_116] {strides = array<i32>} : memref<25x128xf32, #tpu.memory_space<vmem>>, vector<1x16xf32>,
      %swap3A_118 = vector.shape_cast %swap3A_117 : vector<1x16xf32> to vector<16xf32>
      %swap3A_119 = vector.shape_cast %mul3A_114 : vector<16xf32> to vector<1x16xf32>
      tpu.vector_store %arg9[%swap3A_115, %swap3A_116], %swap3A_119 {strides = array<i32>} : memref<25x128xf32, #tpu.memory_space<vmem>>, vector<1x16xf32>,
      %get3A_120 = arith.index_cast %scan3A_21 : i32 to index
      %get3A_121 = arith.constant 80 : index
      %get3A_122 = tpu.vector_load %arg6[%get3A_120, %get3A_121] {strides = array<i32>} : memref<25x128xf32, #tpu.memory_space<vmem>>, vector<1x16xf32>,
      %get3A_123 = vector.shape_cast %get3A_122 : vector<1x16xf32> to vector<16xf32>
      %get3A_124 = arith.index_cast %scan3A_21 : i32 to index
      %get3A_125 = arith.constant 80 : index
      %get3A_126 = tpu.vector_load %arg7[%get3A_124, %get3A_125] {strides = array<i32>} : memref<25x128xf32, #tpu.memory_space<vmem>>, vector<1x16xf32>,
      %get3A_127 = vector.shape_cast %get3A_126 : vector<1x16xf32> to vector<16xf32>
      %add3A_128 = arith.addf %get3A_123, %get3A_127 : vector<16xf32>
      %swap3A_129 = arith.index_cast %scan3A_21 : i32 to index
      %swap3A_130 = arith.constant 80 : index
      %swap3A_131 = tpu.vector_load %arg8[%swap3A_129, %swap3A_130] {strides = array<i32>} : memref<25x128xf32, #tpu.memory_space<vmem>>, vector<1x16xf32>,
      %swap3A_132 = vector.shape_cast %swap3A_131 : vector<1x16xf32> to vector<16xf32>
      %swap3A_133 = vector.shape_cast %add3A_128 : vector<16xf32> to vector<1x16xf32>
      tpu.vector_store %arg8[%swap3A_129, %swap3A_130], %swap3A_133 {strides = array<i32>} : memref<25x128xf32, #tpu.memory_space<vmem>>, vector<1x16xf32>,
      %mul3A_134 = arith.mulf %add3A_128, %add3A_128 : vector<16xf32>
      %swap3A_135 = arith.index_cast %scan3A_21 : i32 to index
      %swap3A_136 = arith.constant 80 : index
      %swap3A_137 = tpu.vector_load %arg9[%swap3A_135, %swap3A_136] {strides = array<i32>} : memref<25x128xf32, #tpu.memory_space<vmem>>, vector<1x16xf32>,
      %swap3A_138 = vector.shape_cast %swap3A_137 : vector<1x16xf32> to vector<16xf32>
      %swap3A_139 = vector.shape_cast %mul3A_134 : vector<16xf32> to vector<1x16xf32>
      tpu.vector_store %arg9[%swap3A_135, %swap3A_136], %swap3A_139 {strides = array<i32>} : memref<25x128xf32, #tpu.memory_space<vmem>>, vector<1x16xf32>,
      %get3A_140 = arith.index_cast %scan3A_21 : i32 to index
      %get3A_141 = arith.constant 96 : index
      %get3A_142 = tpu.vector_load %arg6[%get3A_140, %get3A_141] {strides = array<i32>} : memref<25x128xf32, #tpu.memory_space<vmem>>, vector<1x16xf32>,
      %get3A_143 = vector.shape_cast %get3A_142 : vector<1x16xf32> to vector<16xf32>
      %get3A_144 = arith.index_cast %scan3A_21 : i32 to index
      %get3A_145 = arith.constant 96 : index
      %get3A_146 = tpu.vector_load %arg7[%get3A_144, %get3A_145] {strides = array<i32>} : memref<25x128xf32, #tpu.memory_space<vmem>>, vector<1x16xf32>,
      %get3A_147 = vector.shape_cast %get3A_146 : vector<1x16xf32> to vector<16xf32>
      %add3A_148 = arith.addf %get3A_143, %get3A_147 : vector<16xf32>
      %swap3A_149 = arith.index_cast %scan3A_21 : i32 to index
      %swap3A_150 = arith.constant 96 : index
      %swap3A_151 = tpu.vector_load %arg8[%swap3A_149, %swap3A_150] {strides = array<i32>} : memref<25x128xf32, #tpu.memory_space<vmem>>, vector<1x16xf32>,
      %swap3A_152 = vector.shape_cast %swap3A_151 : vector<1x16xf32> to vector<16xf32>
      %swap3A_153 = vector.shape_cast %add3A_148 : vector<16xf32> to vector<1x16xf32>
      tpu.vector_store %arg8[%swap3A_149, %swap3A_150], %swap3A_153 {strides = array<i32>} : memref<25x128xf32, #tpu.memory_space<vmem>>, vector<1x16xf32>,
      %mul3A_154 = arith.mulf %add3A_148, %add3A_148 : vector<16xf32>
      %swap3A_155 = arith.index_cast %scan3A_21 : i32 to index
      %swap3A_156 = arith.constant 96 : index
      %swap3A_157 = tpu.vector_load %arg9[%swap3A_155, %swap3A_156] {strides = array<i32>} : memref<25x128xf32, #tpu.memory_space<vmem>>, vector<1x16xf32>,
      %swap3A_158 = vector.shape_cast %swap3A_157 : vector<1x16xf32> to vector<16xf32>
      %swap3A_159 = vector.shape_cast %mul3A_154 : vector<16xf32> to vector<1x16xf32>
      tpu.vector_store %arg9[%swap3A_155, %swap3A_156], %swap3A_159 {strides = array<i32>} : memref<25x128xf32, #tpu.memory_space<vmem>>, vector<1x16xf32>,
      %get3A_160 = arith.index_cast %scan3A_21 : i32 to index
      %get3A_161 = arith.constant 112 : index
      %get3A_162 = tpu.vector_load %arg6[%get3A_160, %get3A_161] {strides = array<i32>} : memref<25x128xf32, #tpu.memory_space<vmem>>, vector<1x16xf32>,
      %get3A_163 = vector.shape_cast %get3A_162 : vector<1x16xf32> to vector<16xf32>
      %get3A_164 = arith.index_cast %scan3A_21 : i32 to index
      %get3A_165 = arith.constant 112 : index
      %get3A_166 = tpu.vector_load %arg7[%get3A_164, %get3A_165] {strides = array<i32>} : memref<25x128xf32, #tpu.memory_space<vmem>>, vector<1x16xf32>,
      %get3A_167 = vector.shape_cast %get3A_166 : vector<1x16xf32> to vector<16xf32>
      %add3A_168 = arith.addf %get3A_163, %get3A_167 : vector<16xf32>
      %swap3A_169 = arith.index_cast %scan3A_21 : i32 to index
      %swap3A_170 = arith.constant 112 : index
      %swap3A_171 = tpu.vector_load %arg8[%swap3A_169, %swap3A_170] {strides = array<i32>} : memref<25x128xf32, #tpu.memory_space<vmem>>, vector<1x16xf32>,
      %swap3A_172 = vector.shape_cast %swap3A_171 : vector<1x16xf32> to vector<16xf32>
      %swap3A_173 = vector.shape_cast %add3A_168 : vector<16xf32> to vector<1x16xf32>
      tpu.vector_store %arg8[%swap3A_169, %swap3A_170], %swap3A_173 {strides = array<i32>} : memref<25x128xf32, #tpu.memory_space<vmem>>, vector<1x16xf32>,
      %mul3A_174 = arith.mulf %add3A_168, %add3A_168 : vector<16xf32>
      %swap3A_175 = arith.index_cast %scan3A_21 : i32 to index
      %swap3A_176 = arith.constant 112 : index
      %swap3A_177 = tpu.vector_load %arg9[%swap3A_175, %swap3A_176] {strides = array<i32>} : memref<25x128xf32, #tpu.memory_space<vmem>>, vector<1x16xf32>,
      %swap3A_178 = vector.shape_cast %swap3A_177 : vector<1x16xf32> to vector<16xf32>
      %swap3A_179 = vector.shape_cast %mul3A_174 : vector<16xf32> to vector<1x16xf32>
      tpu.vector_store %arg9[%swap3A_175, %swap3A_176], %swap3A_179 {strides = array<i32>} : memref<25x128xf32, #tpu.memory_space<vmem>>, vector<1x16xf32>,
    }
    %scan3A_8 = arith.constant 25 : i32
    %barrier3A = arith.constant 0 : index
    tpu.barrier barrier_id(%barrier3A)
    %scan3A_9 = arith.constant 0 : i32
    %scan3A_10 = arith.constant 0 : i32
    %scan3A_11 = arith.constant 25 : i32
    %scan3A_12 = arith.addi %scan3A_10, %scan3A_11 : i32
    %scan3A_13 = arith.constant 1 : i32
    scf.for %scan3A_21 = %scan3A_10 to %scan3A_12 step %scan3A_13  : i32 {
      "tpu.region"() ({
        %run_scoped3A_22 = tpu.sem_alloc : memref<!tpu.dma_semaphore, #tpu.memory_space<semaphore_mem>>
        %dma_start3A = arith.constant 0 : i32
        %dma_start3A_23 = tpu.memref_slice %arg8[%scan3A_21, %dma_start3A] : memref<25x128xf32, #tpu.memory_space<vmem>> -> memref<1x128xf32, #tpu.memory_space<vmem>>
        %dma_start3A_24 = tpu.memref_squeeze %dma_start3A_23 : memref<1x128xf32, #tpu.memory_space<vmem>> -> memref<128xf32, #tpu.memory_space<vmem>>
        %dma_start3A_25 = arith.constant 0 : i32
        %dma_start3A_26 = tpu.memref_slice %arg10[%scan3A_21, %dma_start3A_25] : memref<25x128xi32, #tpu.memory_space<vmem>> -> memref<1x128xi32, #tpu.memory_space<vmem>>
        %dma_start3A_27 = tpu.memref_squeeze %dma_start3A_26 : memref<1x128xi32, #tpu.memory_space<vmem>> -> memref<128xi32, #tpu.memory_space<vmem>>
        %dma_start3A_28 = arith.constant 0 : i32
        %dma_start3A_29 = tpu.memref_slice %arg11[%dma_start3A_28] : memref<256xf32, #tpu.memory_space<vmem_shared>> -> memref<256xf32, #tpu.memory_space<vmem_shared>>
        tpu.enqueue_indirect_dma source(%dma_start3A_24 : memref<128xf32, #tpu.memory_space<vmem>>) target(%dma_start3A_29 : memref<256xf32, #tpu.memory_space<vmem_shared>>) offsets(%dma_start3A_27 : memref<128xi32, #tpu.memory_space<vmem>>) semaphore(%run_scoped3A_22 : memref<!tpu.dma_semaphore, #tpu.memory_space<semaphore_mem>>) {add = true}
        %dma_wait3A = arith.constant 0 : i32
        %dma_wait3A_30 = tpu.memref_slice %arg8[%scan3A_21, %dma_wait3A] : memref<25x128xf32, #tpu.memory_space<vmem>> -> memref<1x128xf32, #tpu.memory_space<vmem>>
        %dma_wait3A_31 = tpu.memref_squeeze %dma_wait3A_30 : memref<1x128xf32, #tpu.memory_space<vmem>> -> memref<128xf32, #tpu.memory_space<vmem>>
        %dma_wait3A_32 = arith.constant 0 : i32
        %dma_wait3A_33 = tpu.memref_slice %arg10[%scan3A_21, %dma_wait3A_32] : memref<25x128xi32, #tpu.memory_space<vmem>> -> memref<1x128xi32, #tpu.memory_space<vmem>>
        %dma_wait3A_34 = tpu.memref_squeeze %dma_wait3A_33 : memref<1x128xi32, #tpu.memory_space<vmem>> -> memref<128xi32, #tpu.memory_space<vmem>>
        %dma_wait3A_35 = arith.constant 0 : i32
        %dma_wait3A_36 = tpu.memref_slice %arg11[%dma_wait3A_35] : memref<256xf32, #tpu.memory_space<vmem_shared>> -> memref<256xf32, #tpu.memory_space<vmem_shared>>
        tpu.wait_indirect_dma semaphore(%run_scoped3A_22 : memref<!tpu.dma_semaphore, #tpu.memory_space<semaphore_mem>>) src(%dma_wait3A_31 : memref<128xf32, #tpu.memory_space<vmem>>) dst(%dma_wait3A_36 : memref<256xf32, #tpu.memory_space<vmem_shared>>)
        tpu.yield
      }) : () -> ()
      "tpu.region"() ({
        %run_scoped3A_22 = tpu.sem_alloc : memref<!tpu.dma_semaphore, #tpu.memory_space<semaphore_mem>>
        %dma_start3A = arith.constant 0 : i32
        %dma_start3A_23 = tpu.memref_slice %arg9[%scan3A_21, %dma_start3A] : memref<25x128xf32, #tpu.memory_space<vmem>> -> memref<1x128xf32, #tpu.memory_space<vmem>>
        %dma_start3A_24 = tpu.memref_squeeze %dma_start3A_23 : memref<1x128xf32, #tpu.memory_space<vmem>> -> memref<128xf32, #tpu.memory_space<vmem>>
        %dma_start3A_25 = arith.constant 0 : i32
        %dma_start3A_26 = tpu.memref_slice %arg10[%scan3A_21, %dma_start3A_25] : memref<25x128xi32, #tpu.memory_space<vmem>> -> memref<1x128xi32, #tpu.memory_space<vmem>>
        %dma_start3A_27 = tpu.memref_squeeze %dma_start3A_26 : memref<1x128xi32, #tpu.memory_space<vmem>> -> memref<128xi32, #tpu.memory_space<vmem>>
        %dma_start3A_28 = arith.constant 0 : i32
        %dma_start3A_29 = tpu.memref_slice %arg12[%dma_start3A_28] : memref<256xf32, #tpu.memory_space<vmem_shared>> -> memref<256xf32, #tpu.memory_space<vmem_shared>>
        tpu.enqueue_indirect_dma source(%dma_start3A_24 : memref<128xf32, #tpu.memory_space<vmem>>) target(%dma_start3A_29 : memref<256xf32, #tpu.memory_space<vmem_shared>>) offsets(%dma_start3A_27 : memref<128xi32, #tpu.memory_space<vmem>>) semaphore(%run_scoped3A_22 : memref<!tpu.dma_semaphore, #tpu.memory_space<semaphore_mem>>) {add = true}
        %dma_wait3A = arith.constant 0 : i32
        %dma_wait3A_30 = tpu.memref_slice %arg9[%scan3A_21, %dma_wait3A] : memref<25x128xf32, #tpu.memory_space<vmem>> -> memref<1x128xf32, #tpu.memory_space<vmem>>
        %dma_wait3A_31 = tpu.memref_squeeze %dma_wait3A_30 : memref<1x128xf32, #tpu.memory_space<vmem>> -> memref<128xf32, #tpu.memory_space<vmem>>
        %dma_wait3A_32 = arith.constant 0 : i32
        %dma_wait3A_33 = tpu.memref_slice %arg10[%scan3A_21, %dma_wait3A_32] : memref<25x128xi32, #tpu.memory_space<vmem>> -> memref<1x128xi32, #tpu.memory_space<vmem>>
        %dma_wait3A_34 = tpu.memref_squeeze %dma_wait3A_33 : memref<1x128xi32, #tpu.memory_space<vmem>> -> memref<128xi32, #tpu.memory_space<vmem>>
        %dma_wait3A_35 = arith.constant 0 : i32
        %dma_wait3A_36 = tpu.memref_slice %arg12[%dma_wait3A_35] : memref<256xf32, #tpu.memory_space<vmem_shared>> -> memref<256xf32, #tpu.memory_space<vmem_shared>>
        tpu.wait_indirect_dma semaphore(%run_scoped3A_22 : memref<!tpu.dma_semaphore, #tpu.memory_space<semaphore_mem>>) src(%dma_wait3A_31 : memref<128xf32, #tpu.memory_space<vmem>>) dst(%dma_wait3A_36 : memref<256xf32, #tpu.memory_space<vmem_shared>>)
        tpu.yield
      }) : () -> ()
    }
    %scan3A_14 = arith.constant 25 : i32
    %barrier3A_15 = arith.constant 0 : index
    tpu.barrier barrier_id(%barrier3A_15)
    %eq3A_16 = arith.constant 0 : i32
    %eq3A_17 = arith.cmpi eq, %arg1, %eq3A_16 : i32
    %convert_element_type3A_18 = arith.extui %eq3A_17 : i1 to i32
    %cond3A_19 = arith.constant 0 : i32
    %cond3A_20 = arith.cmpi ne, %convert_element_type3A_18, %cond3A_19 : i32
    scf.if %cond3A_20 {
      %mul3A_21 = arith.constant 2 : i32
      %mul3A_22 = arith.muli %mul3A_21, %arg0 : i32
      "tpu.region"() ({
        %run_scoped3A_27 = tpu.sem_alloc : memref<!tpu.dma_semaphore, #tpu.memory_space<semaphore_mem>>
        %dma_start3A = arith.constant 0 : i32
        %dma_start3A_28 = tpu.memref_slice %arg5[%mul3A_22, %dma_start3A] : memref<4x128xf32, #tpu.memory_space<hbm>> -> memref<1x128xf32, #tpu.memory_space<hbm>>
        %dma_start3A_29 = tpu.memref_squeeze %dma_start3A_28 : memref<1x128xf32, #tpu.memory_space<hbm>> -> memref<128xf32, #tpu.memory_space<hbm>>
        %dma_start3A_30 = arith.constant 0 : i32
        %dma_start3A_31 = tpu.memref_slice %arg11[%dma_start3A_30] : memref<256xf32, #tpu.memory_space<vmem_shared>> -> memref<128xf32, #tpu.memory_space<vmem_shared>>
        tpu.enqueue_dma source(%dma_start3A_31 : memref<128xf32, #tpu.memory_space<vmem_shared>>) target(%dma_start3A_29 : memref<128xf32, #tpu.memory_space<hbm>>) target_semaphore(%run_scoped3A_27 : memref<!tpu.dma_semaphore, #tpu.memory_space<semaphore_mem>>)
        %dma_wait3A = arith.constant 0 : i32
        %dma_wait3A_32 = tpu.memref_slice %arg5[%mul3A_22, %dma_wait3A] : memref<4x128xf32, #tpu.memory_space<hbm>> -> memref<1x128xf32, #tpu.memory_space<hbm>>
        %dma_wait3A_33 = tpu.memref_squeeze %dma_wait3A_32 : memref<1x128xf32, #tpu.memory_space<hbm>> -> memref<128xf32, #tpu.memory_space<hbm>>
        %dma_wait3A_34 = arith.constant 0 : i32
        %dma_wait3A_35 = tpu.memref_slice %arg11[%dma_wait3A_34] : memref<256xf32, #tpu.memory_space<vmem_shared>> -> memref<128xf32, #tpu.memory_space<vmem_shared>>
        tpu.wait_dma2 semaphore(%run_scoped3A_27 : memref<!tpu.dma_semaphore, #tpu.memory_space<semaphore_mem>>) src(%dma_wait3A_35 : memref<128xf32, #tpu.memory_space<vmem_shared>>) dst(%dma_wait3A_33 : memref<128xf32, #tpu.memory_space<hbm>>)
        tpu.yield
      }) : () -> ()
      %mul3A_23 = arith.constant 2 : i32
      %mul3A_24 = arith.muli %mul3A_23, %arg0 : i32
      %add3A_25 = arith.constant 1 : i32
      %add3A_26 = arith.addi %mul3A_24, %add3A_25 : i32
      "tpu.region"() ({
        %run_scoped3A_27 = tpu.sem_alloc : memref<!tpu.dma_semaphore, #tpu.memory_space<semaphore_mem>>
        %dma_start3A = arith.constant 0 : i32
        %dma_start3A_28 = tpu.memref_slice %arg5[%add3A_26, %dma_start3A] : memref<4x128xf32, #tpu.memory_space<hbm>> -> memref<1x128xf32, #tpu.memory_space<hbm>>
        %dma_start3A_29 = tpu.memref_squeeze %dma_start3A_28 : memref<1x128xf32, #tpu.memory_space<hbm>> -> memref<128xf32, #tpu.memory_space<hbm>>
        %dma_start3A_30 = arith.constant 0 : i32
        %dma_start3A_31 = tpu.memref_slice %arg12[%dma_start3A_30] : memref<256xf32, #tpu.memory_space<vmem_shared>> -> memref<128xf32, #tpu.memory_space<vmem_shared>>
        tpu.enqueue_dma source(%dma_start3A_31 : memref<128xf32, #tpu.memory_space<vmem_shared>>) target(%dma_start3A_29 : memref<128xf32, #tpu.memory_space<hbm>>) target_semaphore(%run_scoped3A_27 : memref<!tpu.dma_semaphore, #tpu.memory_space<semaphore_mem>>)
        %dma_wait3A = arith.constant 0 : i32
        %dma_wait3A_32 = tpu.memref_slice %arg5[%add3A_26, %dma_wait3A] : memref<4x128xf32, #tpu.memory_space<hbm>> -> memref<1x128xf32, #tpu.memory_space<hbm>>
        %dma_wait3A_33 = tpu.memref_squeeze %dma_wait3A_32 : memref<1x128xf32, #tpu.memory_space<hbm>> -> memref<128xf32, #tpu.memory_space<hbm>>
        %dma_wait3A_34 = arith.constant 0 : i32
        %dma_wait3A_35 = tpu.memref_slice %arg12[%dma_wait3A_34] : memref<256xf32, #tpu.memory_space<vmem_shared>> -> memref<128xf32, #tpu.memory_space<vmem_shared>>
        tpu.wait_dma2 semaphore(%run_scoped3A_27 : memref<!tpu.dma_semaphore, #tpu.memory_space<semaphore_mem>>) src(%dma_wait3A_35 : memref<128xf32, #tpu.memory_space<vmem_shared>>) dst(%dma_wait3A_33 : memref<128xf32, #tpu.memory_space<hbm>>)
        tpu.yield
      }) : () -> ()
    } else {
    }
    return
  }
}

module attributes {stable_mosaic.version = 14 : i64} {
  func.func @_pool_body(%arg0: i32, %arg1: memref<1x1x5000xi32, #tpu.memory_space<vmem>>, %arg2: memref<5000x128xf32, #tpu.memory_space<vmem>>, %arg3: memref<128x136xf32, #tpu.memory_space<vmem>>) attributes {dimension_semantics = [#tpu.dimension_semantics<arbitrary>], iteration_bounds = array<i64: 17>, scalar_prefetch = 0 : i64, scratch_operands = 0 : i64, tpu.core_type = #tpu.core_type<tc>, window_params = [{transform_indices = @transform_0, window_bounds = array<i64: 1, 1, 5000>}, {transform_indices = @transform_1, window_bounds = array<i64: 5000, 128>}, {pipeline_mode = #tpu.pipeline_mode<synchronous>, transform_indices = @transform_2, window_bounds = array<i64: 128, 136>}]} {
    %eq3A = arith.constant 0 : i32
    %eq3A_0 = arith.cmpi eq, %arg0, %eq3A : i32
    %convert_element_type3A = arith.extui %eq3A_0 : i1 to i32
    %cond3A = arith.constant 0 : i32
    %cond3A_1 = arith.cmpi ne, %convert_element_type3A, %cond3A : i32
    scf.if %cond3A_1 {
      %broadcast_in_dim3A_23 = arith.constant 0.000000e+00 : f32
      %broadcast_in_dim3A_24 = vector.broadcast %broadcast_in_dim3A_23 : f32 to vector<128x136xf32>
      %swap3A_25 = arith.constant 0 : index
      %swap3A_26 = arith.constant 0 : index
      %swap3A_27 = vector.load %arg3[%swap3A_25, %swap3A_26] : memref<128x136xf32, #tpu.memory_space<vmem>>, vector<128x136xf32>
      tpu.vector_store %arg3[%swap3A_25, %swap3A_26], %broadcast_in_dim3A_24 {strides = array<i32>} : memref<128x136xf32, #tpu.memory_space<vmem>>, vector<128x136xf32>,
    } else {
    }
    %get3A = arith.constant 0 : index
    %get3A_2 = arith.constant 0 : index
    %get3A_3 = arith.constant 0 : index
    %get3A_4 = vector.load %arg1[%get3A, %get3A_2, %get3A_3] : memref<1x1x5000xi32, #tpu.memory_space<vmem>>, vector<1x1x5000xi32>
    %get3A_5 = vector.shape_cast %get3A_4 : vector<1x1x5000xi32> to vector<5000xi32>
    %broadcast_in_dim3A = vector.shape_cast %get3A_5 : vector<5000xi32> to vector<1x5000xi32>
    %iota3A = tpu.iota {dimensions = array<i32: 0>} : vector<128x5000xi32>
    %eq3A_6 = vector.broadcast %broadcast_in_dim3A : vector<1x5000xi32> to vector<128x5000xi32>
    %eq3A_7 = arith.cmpi eq, %iota3A, %eq3A_6 : vector<128x5000xi32>
    %convert_element_type3A_8 = arith.extui %eq3A_7 : vector<128x5000xi1> to vector<128x5000xi32>
    %convert_element_type3A_9 = arith.sitofp %convert_element_type3A_8 : vector<128x5000xi32> to vector<128x5000xf32>
    %get3A_10 = arith.constant 0 : index
    %get3A_11 = arith.constant 0 : index
    %get3A_12 = vector.load %arg2[%get3A_10, %get3A_11] : memref<5000x128xf32, #tpu.memory_space<vmem>>, vector<5000x128xf32>
    %dot_general3A = arith.constant dense<0.000000e+00> : vector<128x128xf32>
    %dot_general3A_13 = tpu.matmul %convert_element_type3A_9, %get3A_12, %dot_general3A {dimension_numbers = #tpu.dot_dimension_numbers<[1], [0], [0], [1], [0, 0, 1, 1], [], []>, precision = #tpu.contract_precision<fp32>, transpose_lhs_hint = false} : vector<128x5000xf32>, vector<5000x128xf32>, vector<128x128xf32> -> vector<128x128xf32>
    %broadcast_in_dim3A_14 = arith.constant 1.000000e+00 : f32
    %broadcast_in_dim3A_15 = vector.broadcast %broadcast_in_dim3A_14 : f32 to vector<5000x8xf32>
    %dot_general3A_16 = arith.constant dense<0.000000e+00> : vector<128x8xf32>
    %dot_general3A_17 = tpu.matmul %convert_element_type3A_9, %broadcast_in_dim3A_15, %dot_general3A_16 {dimension_numbers = #tpu.dot_dimension_numbers<[1], [0], [0], [1], [0, 0, 1, 1], [], []>, precision = #tpu.contract_precision<fp32>, transpose_lhs_hint = false} : vector<128x5000xf32>, vector<5000x8xf32>, vector<128x8xf32> -> vector<128x8xf32>
    %get3A_18 = arith.constant 0 : index
    %get3A_19 = arith.constant 0 : index
    %get3A_20 = vector.load %arg3[%get3A_18, %get3A_19] : memref<128x136xf32, #tpu.memory_space<vmem>>, vector<128x136xf32>
    %concatenate3A = tpu.concatenate %dot_general3A_13, %dot_general3A_17 in 1 : vector<128x128xf32>, vector<128x8xf32> -> vector<128x136xf32>
    %add3A = arith.addf %get3A_20, %concatenate3A : vector<128x136xf32>
    %swap3A = arith.constant 0 : index
    %swap3A_21 = arith.constant 0 : index
    %swap3A_22 = vector.load %arg3[%swap3A, %swap3A_21] : memref<128x136xf32, #tpu.memory_space<vmem>>, vector<128x136xf32>
    tpu.vector_store %arg3[%swap3A, %swap3A_21], %add3A {strides = array<i32>} : memref<128x136xf32, #tpu.memory_space<vmem>>, vector<128x136xf32>,
    return
  }
  func.func @transform_0(%arg0: i32) -> (i32, i32, i32) {
    %add3A = arith.constant 0 : i32
    %add3A_0 = arith.addi %arg0, %add3A : i32
    %c0_i32 = arith.constant 0 : i32
    %c0_i32_1 = arith.constant 0 : i32
    %c0_i32_2 = arith.constant 0 : i32
    return %add3A_0, %c0_i32, %c0_i32_1 : i32, i32, i32
  }
  func.func @transform_1(%arg0: i32) -> (i32, i32) {
    %add3A = arith.constant 0 : i32
    %add3A_0 = arith.addi %arg0, %add3A : i32
    %c0_i32 = arith.constant 0 : i32
    %c0_i32_1 = arith.constant 0 : i32
    return %add3A_0, %c0_i32 : i32, i32
  }
  func.func @transform_2(%arg0: i32) -> (i32, i32) {
    %c0_i32 = arith.constant 0 : i32
    %c0_i32_0 = arith.constant 0 : i32
    %c0_i32_1 = arith.constant 0 : i32
    return %c0_i32, %c0_i32_0 : i32, i32
  }
}

module attributes {stable_mosaic.version = 14 : i64} {
  func.func @_pool_body(%arg0: i32, %arg1: memref<1x1x5000xi32, #tpu.memory_space<vmem>>, %arg2: memref<5000x128xf32, #tpu.memory_space<vmem>>, %arg3: memref<128x136xf32, #tpu.memory_space<vmem>>) attributes {dimension_semantics = [#tpu.dimension_semantics<arbitrary>], iteration_bounds = array<i64: 3>, scalar_prefetch = 0 : i64, scratch_operands = 0 : i64, tpu.core_type = #tpu.core_type<tc>, window_params = [{transform_indices = @transform_0, window_bounds = array<i64: 1, 1, 5000>}, {transform_indices = @transform_1, window_bounds = array<i64: 5000, 128>}, {pipeline_mode = #tpu.pipeline_mode<synchronous>, transform_indices = @transform_2, window_bounds = array<i64: 128, 136>}]} {
    %eq3A = arith.constant 0 : i32
    %eq3A_0 = arith.cmpi eq, %arg0, %eq3A : i32
    %convert_element_type3A = arith.extui %eq3A_0 : i1 to i32
    %cond3A = arith.constant 0 : i32
    %cond3A_1 = arith.cmpi ne, %convert_element_type3A, %cond3A : i32
    scf.if %cond3A_1 {
      %broadcast_in_dim3A_23 = arith.constant 0.000000e+00 : f32
      %broadcast_in_dim3A_24 = vector.broadcast %broadcast_in_dim3A_23 : f32 to vector<128x136xf32>
      %swap3A_25 = arith.constant 0 : index
      %swap3A_26 = arith.constant 0 : index
      %swap3A_27 = vector.load %arg3[%swap3A_25, %swap3A_26] : memref<128x136xf32, #tpu.memory_space<vmem>>, vector<128x136xf32>
      tpu.vector_store %arg3[%swap3A_25, %swap3A_26], %broadcast_in_dim3A_24 {strides = array<i32>} : memref<128x136xf32, #tpu.memory_space<vmem>>, vector<128x136xf32>,
    } else {
    }
    %get3A = arith.constant 0 : index
    %get3A_2 = arith.constant 0 : index
    %get3A_3 = arith.constant 0 : index
    %get3A_4 = vector.load %arg1[%get3A, %get3A_2, %get3A_3] : memref<1x1x5000xi32, #tpu.memory_space<vmem>>, vector<1x1x5000xi32>
    %get3A_5 = vector.shape_cast %get3A_4 : vector<1x1x5000xi32> to vector<5000xi32>
    %broadcast_in_dim3A = vector.shape_cast %get3A_5 : vector<5000xi32> to vector<1x5000xi32>
    %iota3A = tpu.iota {dimensions = array<i32: 0>} : vector<128x5000xi32>
    %eq3A_6 = vector.broadcast %broadcast_in_dim3A : vector<1x5000xi32> to vector<128x5000xi32>
    %eq3A_7 = arith.cmpi eq, %iota3A, %eq3A_6 : vector<128x5000xi32>
    %convert_element_type3A_8 = arith.extui %eq3A_7 : vector<128x5000xi1> to vector<128x5000xi32>
    %convert_element_type3A_9 = arith.sitofp %convert_element_type3A_8 : vector<128x5000xi32> to vector<128x5000xf32>
    %get3A_10 = arith.constant 0 : index
    %get3A_11 = arith.constant 0 : index
    %get3A_12 = vector.load %arg2[%get3A_10, %get3A_11] : memref<5000x128xf32, #tpu.memory_space<vmem>>, vector<5000x128xf32>
    %dot_general3A = arith.constant dense<0.000000e+00> : vector<128x128xf32>
    %dot_general3A_13 = tpu.matmul %convert_element_type3A_9, %get3A_12, %dot_general3A {dimension_numbers = #tpu.dot_dimension_numbers<[1], [0], [0], [1], [0, 0, 1, 1], [], []>, precision = #tpu.contract_precision<fp32>, transpose_lhs_hint = false} : vector<128x5000xf32>, vector<5000x128xf32>, vector<128x128xf32> -> vector<128x128xf32>
    %broadcast_in_dim3A_14 = arith.constant 1.000000e+00 : f32
    %broadcast_in_dim3A_15 = vector.broadcast %broadcast_in_dim3A_14 : f32 to vector<5000x8xf32>
    %dot_general3A_16 = arith.constant dense<0.000000e+00> : vector<128x8xf32>
    %dot_general3A_17 = tpu.matmul %convert_element_type3A_9, %broadcast_in_dim3A_15, %dot_general3A_16 {dimension_numbers = #tpu.dot_dimension_numbers<[1], [0], [0], [1], [0, 0, 1, 1], [], []>, precision = #tpu.contract_precision<fp32>, transpose_lhs_hint = false} : vector<128x5000xf32>, vector<5000x8xf32>, vector<128x8xf32> -> vector<128x8xf32>
    %get3A_18 = arith.constant 0 : index
    %get3A_19 = arith.constant 0 : index
    %get3A_20 = vector.load %arg3[%get3A_18, %get3A_19] : memref<128x136xf32, #tpu.memory_space<vmem>>, vector<128x136xf32>
    %concatenate3A = tpu.concatenate %dot_general3A_13, %dot_general3A_17 in 1 : vector<128x128xf32>, vector<128x8xf32> -> vector<128x136xf32>
    %add3A = arith.addf %get3A_20, %concatenate3A : vector<128x136xf32>
    %swap3A = arith.constant 0 : index
    %swap3A_21 = arith.constant 0 : index
    %swap3A_22 = vector.load %arg3[%swap3A, %swap3A_21] : memref<128x136xf32, #tpu.memory_space<vmem>>, vector<128x136xf32>
    tpu.vector_store %arg3[%swap3A, %swap3A_21], %add3A {strides = array<i32>} : memref<128x136xf32, #tpu.memory_space<vmem>>, vector<128x136xf32>,
    return
  }
  func.func @transform_0(%arg0: i32) -> (i32, i32, i32) {
    %add3A = arith.constant 17 : i32
    %add3A_0 = arith.addi %arg0, %add3A : i32
    %c0_i32 = arith.constant 0 : i32
    %c0_i32_1 = arith.constant 0 : i32
    %c0_i32_2 = arith.constant 0 : i32
    return %add3A_0, %c0_i32, %c0_i32_1 : i32, i32, i32
  }
  func.func @transform_1(%arg0: i32) -> (i32, i32) {
    %add3A = arith.constant 17 : i32
    %add3A_0 = arith.addi %arg0, %add3A : i32
    %c0_i32 = arith.constant 0 : i32
    %c0_i32_1 = arith.constant 0 : i32
    return %add3A_0, %c0_i32 : i32, i32
  }
  func.func @transform_2(%arg0: i32) -> (i32, i32) {
    %c0_i32 = arith.constant 0 : i32
    %c0_i32_0 = arith.constant 0 : i32
    %c0_i32_1 = arith.constant 0 : i32
    return %c0_i32, %c0_i32_0 : i32, i32
  }
}

module attributes {stable_mosaic.version = 14 : i64} {
  func.func @_head_body(%arg0: memref<4x128xf32, #tpu.memory_space<vmem>>, %arg1: memref<128x136xf32, #tpu.memory_space<vmem>>, %arg2: memref<128x136xf32, #tpu.memory_space<vmem>>, %arg3: memref<133x64xf32, #tpu.memory_space<vmem>>, %arg4: memref<1x64xf32, #tpu.memory_space<vmem>>, %arg5: memref<64x64xf32, #tpu.memory_space<vmem>>, %arg6: memref<1x64xf32, #tpu.memory_space<vmem>>, %arg7: memref<64x12xf32, #tpu.memory_space<vmem>>, %arg8: memref<1x12xf32, #tpu.memory_space<vmem>>, %arg9: memref<64x12xf32, #tpu.memory_space<vmem>>, %arg10: memref<1x12xf32, #tpu.memory_space<vmem>>, %arg11: memref<128x12xf32, #tpu.memory_space<vmem>>, %arg12: memref<128x12xf32, #tpu.memory_space<vmem>>) attributes {dimension_semantics = [], scalar_prefetch = 0 : i64, scratch_operands = 0 : i64, tpu.core_type = #tpu.core_type<tc>} {
    %get3A = arith.constant 0 : index
    %get3A_0 = arith.constant 0 : index
    %get3A_1 = vector.load %arg0[%get3A, %get3A_0] : memref<4x128xf32, #tpu.memory_space<vmem>>, vector<1x128xf32>
    %get3A_2 = vector.shape_cast %get3A_1 : vector<1x128xf32> to vector<128xf32>
    %get3A_3 = arith.constant 2 : index
    %get3A_4 = arith.constant 0 : index
    %get3A_5 = vector.load %arg0[%get3A_3, %get3A_4] : memref<4x128xf32, #tpu.memory_space<vmem>>, vector<1x128xf32>
    %get3A_6 = vector.shape_cast %get3A_5 : vector<1x128xf32> to vector<128xf32>
    %add3A = arith.addf %get3A_2, %get3A_6 : vector<128xf32>
    %get3A_7 = arith.constant 1 : index
    %get3A_8 = arith.constant 0 : index
    %get3A_9 = vector.load %arg0[%get3A_7, %get3A_8] : memref<4x128xf32, #tpu.memory_space<vmem>>, vector<1x128xf32>
    %get3A_10 = vector.shape_cast %get3A_9 : vector<1x128xf32> to vector<128xf32>
    %get3A_11 = arith.constant 3 : index
    %get3A_12 = arith.constant 0 : index
    %get3A_13 = vector.load %arg0[%get3A_11, %get3A_12] : memref<4x128xf32, #tpu.memory_space<vmem>>, vector<1x128xf32>
    %get3A_14 = vector.shape_cast %get3A_13 : vector<1x128xf32> to vector<128xf32>
    %add3A_15 = arith.addf %get3A_10, %get3A_14 : vector<128xf32>
    %get3A_16 = arith.constant 0 : index
    %get3A_17 = arith.constant 0 : index
    %get3A_18 = vector.load %arg1[%get3A_16, %get3A_17] : memref<128x136xf32, #tpu.memory_space<vmem>>, vector<128x136xf32>
    %get3A_19 = arith.constant 0 : index
    %get3A_20 = arith.constant 0 : index
    %get3A_21 = vector.load %arg2[%get3A_19, %get3A_20] : memref<128x136xf32, #tpu.memory_space<vmem>>, vector<128x136xf32>
    %add3A_22 = arith.addf %get3A_18, %get3A_21 : vector<128x136xf32>
    %slice3A = vector.extract_strided_slice %add3A_22 {offsets = [0, 0], sizes = [128, 128], strides = [1, 1]} : vector<128x136xf32> to vector<128x128xf32>
    %slice3A_23 = vector.extract_strided_slice %add3A_22 {offsets = [0, 128], sizes = [128, 1], strides = [1, 1]} : vector<128x136xf32> to vector<128x1xf32>
    %squeeze3A = vector.shape_cast %slice3A_23 : vector<128x1xf32> to vector<128xf32>
    %max3A = arith.constant 1.000000e+00 : f32
    %max3A_24 = vector.broadcast %max3A : f32 to vector<128xf32>
    %max3A_25 = arith.maximumf %squeeze3A, %max3A_24 : vector<128xf32>
    %add3A_26 = arith.constant 1.000000e+00 : f32
    %add3A_27 = vector.broadcast %add3A_26 : f32 to vector<128xf32>
    %add3A_28 = arith.addf %squeeze3A, %add3A_27 : vector<128xf32>
    %log3A = math.log %add3A_28 : vector<128xf32>
    %mul3A = arith.constant 5.000000e-01 : f32
    %mul3A_29 = vector.broadcast %mul3A : f32 to vector<128xf32>
    %mul3A_30 = arith.mulf %mul3A_29, %add3A : vector<128xf32>
    %add3A_31 = arith.constant 1.000000e+00 : f32
    %add3A_32 = vector.broadcast %add3A_31 : f32 to vector<128xf32>
    %add3A_33 = arith.addf %mul3A_30, %add3A_32 : vector<128xf32>
    %log3A_34 = math.log %add3A_33 : vector<128xf32>
    %sub3A = arith.constant 1.000000e+00 : f32
    %sub3A_35 = vector.broadcast %sub3A : f32 to vector<128xf32>
    %sub3A_36 = arith.subf %squeeze3A, %sub3A_35 : vector<128xf32>
    %mul3A_37 = arith.mulf %squeeze3A, %sub3A_36 : vector<128xf32>
    %add3A_38 = arith.constant 9.99999993E-9 : f32
    %add3A_39 = vector.broadcast %add3A_38 : f32 to vector<128xf32>
    %add3A_40 = arith.addf %mul3A_37, %add3A_39 : vector<128xf32>
    %div3A = arith.divf %add3A, %add3A_40 : vector<128xf32>
    %div3A_41 = arith.divf %add3A, %max3A_25 : vector<128xf32>
    %div3A_42 = arith.divf %add3A_15, %max3A_25 : vector<128xf32>
    %mul3A_43 = arith.mulf %div3A_41, %div3A_41 : vector<128xf32>
    %sub3A_44 = arith.subf %div3A_42, %mul3A_43 : vector<128xf32>
    %jit3A = arith.constant 0.000000e+00 : f32
    %max3A_45 = vector.broadcast %jit3A : f32 to vector<128xf32>
    %max3A_46 = arith.maximumf %max3A_45, %sub3A_44 : vector<128xf32>
    %broadcast_in_dim3A = vector.shape_cast %max3A_25 : vector<128xf32> to vector<128x1xf32>
    %div3A_47 = vector.broadcast %broadcast_in_dim3A : vector<128x1xf32> to vector<128x128xf32>
    %div3A_48 = arith.divf %slice3A, %div3A_47 : vector<128x128xf32>
    %broadcast_in_dim3A_49 = vector.shape_cast %log3A : vector<128xf32> to vector<128x1xf32>
    %broadcast_in_dim3A_50 = vector.shape_cast %log3A_34 : vector<128xf32> to vector<128x1xf32>
    %broadcast_in_dim3A_51 = vector.shape_cast %div3A : vector<128xf32> to vector<128x1xf32>
    %broadcast_in_dim3A_52 = vector.shape_cast %div3A_41 : vector<128xf32> to vector<128x1xf32>
    %broadcast_in_dim3A_53 = vector.shape_cast %max3A_46 : vector<128xf32> to vector<128x1xf32>
    %concatenate3A = tpu.concatenate %broadcast_in_dim3A_49, %broadcast_in_dim3A_50, %broadcast_in_dim3A_51, %broadcast_in_dim3A_52, %broadcast_in_dim3A_53, %div3A_48 in 1 : vector<128x1xf32>, vector<128x1xf32>, vector<128x1xf32>, vector<128x1xf32>, vector<128x1xf32>, vector<128x128xf32> -> vector<128x133xf32>
    %get3A_54 = arith.constant 0 : index
    %get3A_55 = arith.constant 0 : index
    %get3A_56 = vector.load %arg3[%get3A_54, %get3A_55] : memref<133x64xf32, #tpu.memory_space<vmem>>, vector<133x64xf32>
    %dot_general3A = arith.constant dense<0.000000e+00> : vector<128x64xf32>
    %dot_general3A_57 = tpu.matmul %concatenate3A, %get3A_56, %dot_general3A {dimension_numbers = #tpu.dot_dimension_numbers<[1], [0], [0], [1], [0, 0, 1, 1], [], []>, precision = #tpu.contract_precision<fp32>, transpose_lhs_hint = false} : vector<128x133xf32>, vector<133x64xf32>, vector<128x64xf32> -> vector<128x64xf32>
    %get3A_58 = arith.constant 0 : index
    %get3A_59 = arith.constant 0 : index
    %get3A_60 = vector.load %arg4[%get3A_58, %get3A_59] : memref<1x64xf32, #tpu.memory_space<vmem>>, vector<1x64xf32>
    %add3A_61 = vector.broadcast %get3A_60 : vector<1x64xf32> to vector<128x64xf32>
    %add3A_62 = arith.addf %dot_general3A_57, %add3A_61 : vector<128x64xf32>
    %max3A_63 = arith.constant 0.000000e+00 : f32
    %max3A_64 = vector.broadcast %max3A_63 : f32 to vector<128x64xf32>
    %max3A_65 = arith.maximumf %add3A_62, %max3A_64 : vector<128x64xf32>
    %get3A_66 = arith.constant 0 : index
    %get3A_67 = arith.constant 0 : index
    %get3A_68 = vector.load %arg5[%get3A_66, %get3A_67] : memref<64x64xf32, #tpu.memory_space<vmem>>, vector<64x64xf32>
    %dot_general3A_69 = arith.constant dense<0.000000e+00> : vector<128x64xf32>
    %dot_general3A_70 = tpu.matmul %max3A_65, %get3A_68, %dot_general3A_69 {dimension_numbers = #tpu.dot_dimension_numbers<[1], [0], [0], [1], [0, 0, 1, 1], [], []>, precision = #tpu.contract_precision<fp32>, transpose_lhs_hint = false} : vector<128x64xf32>, vector<64x64xf32>, vector<128x64xf32> -> vector<128x64xf32>
    %get3A_71 = arith.constant 0 : index
    %get3A_72 = arith.constant 0 : index
    %get3A_73 = vector.load %arg6[%get3A_71, %get3A_72] : memref<1x64xf32, #tpu.memory_space<vmem>>, vector<1x64xf32>
    %add3A_74 = vector.broadcast %get3A_73 : vector<1x64xf32> to vector<128x64xf32>
    %add3A_75 = arith.addf %dot_general3A_70, %add3A_74 : vector<128x64xf32>
    %max3A_76 = arith.constant 0.000000e+00 : f32
    %max3A_77 = vector.broadcast %max3A_76 : f32 to vector<128x64xf32>
    %max3A_78 = arith.maximumf %add3A_75, %max3A_77 : vector<128x64xf32>
    %get3A_79 = arith.constant 0 : index
    %get3A_80 = arith.constant 0 : index
    %get3A_81 = vector.load %arg7[%get3A_79, %get3A_80] : memref<64x12xf32, #tpu.memory_space<vmem>>, vector<64x12xf32>
    %dot_general3A_82 = arith.constant dense<0.000000e+00> : vector<128x12xf32>
    %dot_general3A_83 = tpu.matmul %max3A_78, %get3A_81, %dot_general3A_82 {dimension_numbers = #tpu.dot_dimension_numbers<[1], [0], [0], [1], [0, 0, 1, 1], [], []>, precision = #tpu.contract_precision<fp32>, transpose_lhs_hint = false} : vector<128x64xf32>, vector<64x12xf32>, vector<128x12xf32> -> vector<128x12xf32>
    %get3A_84 = arith.constant 0 : index
    %get3A_85 = arith.constant 0 : index
    %get3A_86 = vector.load %arg8[%get3A_84, %get3A_85] : memref<1x12xf32, #tpu.memory_space<vmem>>, vector<1x12xf32>
    %add3A_87 = vector.broadcast %get3A_86 : vector<1x12xf32> to vector<128x12xf32>
    %add3A_88 = arith.addf %dot_general3A_83, %add3A_87 : vector<128x12xf32>
    %neg3A = arith.constant 0.000000e+00 : f32
    %neg3A_89 = vector.broadcast %neg3A : f32 to vector<128x12xf32>
    %neg3A_90 = arith.subf %neg3A_89, %add3A_88 : vector<128x12xf32>
    %exp3A = math.exp %neg3A_90 : vector<128x12xf32>
    %add3A_91 = arith.constant 1.000000e+00 : f32
    %add3A_92 = vector.broadcast %add3A_91 : f32 to vector<128x12xf32>
    %add3A_93 = arith.addf %add3A_92, %exp3A : vector<128x12xf32>
    %div3A_94 = arith.constant 1.000000e+00 : f32
    %div3A_95 = vector.broadcast %div3A_94 : f32 to vector<128x12xf32>
    %div3A_96 = arith.divf %div3A_95, %add3A_93 : vector<128x12xf32>
    %get3A_97 = arith.constant 0 : index
    %get3A_98 = arith.constant 0 : index
    %get3A_99 = vector.load %arg9[%get3A_97, %get3A_98] : memref<64x12xf32, #tpu.memory_space<vmem>>, vector<64x12xf32>
    %dot_general3A_100 = arith.constant dense<0.000000e+00> : vector<128x12xf32>
    %dot_general3A_101 = tpu.matmul %max3A_78, %get3A_99, %dot_general3A_100 {dimension_numbers = #tpu.dot_dimension_numbers<[1], [0], [0], [1], [0, 0, 1, 1], [], []>, precision = #tpu.contract_precision<fp32>, transpose_lhs_hint = false} : vector<128x64xf32>, vector<64x12xf32>, vector<128x12xf32> -> vector<128x12xf32>
    %get3A_102 = arith.constant 0 : index
    %get3A_103 = arith.constant 0 : index
    %get3A_104 = vector.load %arg10[%get3A_102, %get3A_103] : memref<1x12xf32, #tpu.memory_space<vmem>>, vector<1x12xf32>
    %add3A_105 = vector.broadcast %get3A_104 : vector<1x12xf32> to vector<128x12xf32>
    %add3A_106 = arith.addf %dot_general3A_101, %add3A_105 : vector<128x12xf32>
    %neg3A_107 = arith.constant 0.000000e+00 : f32
    %neg3A_108 = vector.broadcast %neg3A_107 : f32 to vector<128x12xf32>
    %neg3A_109 = arith.subf %neg3A_108, %add3A_106 : vector<128x12xf32>
    %exp3A_110 = math.exp %neg3A_109 : vector<128x12xf32>
    %add3A_111 = arith.constant 1.000000e+00 : f32
    %add3A_112 = vector.broadcast %add3A_111 : f32 to vector<128x12xf32>
    %add3A_113 = arith.addf %add3A_112, %exp3A_110 : vector<128x12xf32>
    %div3A_114 = arith.constant 1.000000e+00 : f32
    %div3A_115 = vector.broadcast %div3A_114 : f32 to vector<128x12xf32>
    %div3A_116 = arith.divf %div3A_115, %add3A_113 : vector<128x12xf32>
    %mul3A_117 = arith.constant 8.000000e-01 : f32
    %mul3A_118 = vector.broadcast %mul3A_117 : f32 to vector<128x12xf32>
    %mul3A_119 = arith.mulf %mul3A_118, %div3A_96 : vector<128x12xf32>
    %add3A_120 = arith.constant 2.000000e-01 : f32
    %add3A_121 = vector.broadcast %add3A_120 : f32 to vector<128x12xf32>
    %add3A_122 = arith.addf %add3A_121, %mul3A_119 : vector<128x12xf32>
    %swap3A = arith.constant 0 : index
    %swap3A_123 = arith.constant 0 : index
    %swap3A_124 = vector.load %arg11[%swap3A, %swap3A_123] : memref<128x12xf32, #tpu.memory_space<vmem>>, vector<128x12xf32>
    tpu.vector_store %arg11[%swap3A, %swap3A_123], %add3A_122 {strides = array<i32>} : memref<128x12xf32, #tpu.memory_space<vmem>>, vector<128x12xf32>,
    %swap3A_125 = arith.constant 0 : index
    %swap3A_126 = arith.constant 0 : index
    %swap3A_127 = vector.load %arg12[%swap3A_125, %swap3A_126] : memref<128x12xf32, #tpu.memory_space<vmem>>, vector<128x12xf32>
    tpu.vector_store %arg12[%swap3A_125, %swap3A_126], %div3A_116 {strides = array<i32>} : memref<128x12xf32, #tpu.memory_space<vmem>>, vector<128x12xf32>,
    return
  }
}

</mosaic_0001>

<sc_bundles>
// kernel: kernel.10.cloned.1.call-start
scs
__scs_entry_jumppad:
0x0: {  	(pc) =	sbr.rel $0x88, $3  }
0x1: {  	(tag) =	ssettag $0x0;
	lr =	simm.s32 $0x1  }
0x2: {  	[smem:$0x3F96] =	sst lr;
	_ =	strace $0xD0000000  }
0x3: {  	_ = 	snop  }
0x4: {  	_ = 	snop  }
0x5: {  	_ = 	snop  }
0x6: {  	_ = 	snop  }
0x7: {  	_ = 	snop  }
__scs_overlays_trampoline_lowered:
0x8: {  	[smem:$0x3FA5] =	sst s0  }
0x9: {  	[smem:$0x3FA6] =	sst s1  }
0xa: {  	[smem:$0x3FA7] =	sst s2  }
0xb: {  	[smem:$0x3FA8] =	sst s3  }
0xc: {  	[smem:$0x3FA9] =	sst s4  }
0xd: {  	[smem:$0x3FAA] =	sst s5  }
0xe: {  	[smem:$0x3FAB] =	sst s6  }
0xf: {  	[smem:$0x3FAC] =	sst s7  }
0x10: {  	[smem:$0x3FAD] =	sst s8  }
0x11: {  	[smem:$0x3FAE] =	sst s9;
	s0 =	simm.s32 @!p0 $0x0  }
0x12: {  	s1 =	sld [smem:$0x3F94];
	s0 =	simm.s32 @p0 $0x1  }
0x13: {  	[smem:$0x3FAF] =	sst s0;
	s0 =	simm.s32 @!p1 $0x0  }
0x14: {  	s2 =	sld [smem:$0x3F93];
	s0 =	simm.s32 @p1 $0x1  }
0x15: {  	[smem:$0x3FB0] =	sst s0;
	s0 =	simm.s32 @!p2 $0x0  }
0x16: {  	s3 =	sld [smem:$0x3FDB];
	s0 =	simm.s32 @p2 $0x1  }
0x17: {  	s4 =	simm.s32 $0x1BF5;
	[smem:$0x3FB2] =	sst s0  }
0x18: {  	s0 =	sld [smem:$0x3F95];
	_ =	swait.ge [sflag:s4], $0x0  }
0x19: {  	s7 =	sld [smem:$0x3F96]  }
0x1a: {  	s8 =	sadd.s32 $0xFFFFE003, lr  }
0x1b: {  	s9 =	sadd.s32 $0xFFFFFEF7, lr;
	s5 =	simm.s32 $0xFFFFFFFF;
	p2 =	slt.u32 s8, $0xFFFFF086  }
0x1c: {  	p1 =	slt.u32 s9, $0xF7A;
	s5 =	simm.s32 @!p2 $0x0  }
0x1d: {  	s5 =	simm.s32 @p1 $0x1;
	p0 =	seq.s32 s7, s2  }
0x1e: {  	s7 =	smul.u32 @!p0 $0xF7A, s2;
	p2 =	seq.s32 @!p0 s5, $0x0  }
0x1f: {  	s9 =	smul.u32 $0xF7A, s1;
	s8 =	simm.s32 @!p0 $0x1BF5;
	p2 =	por !p2, p0  }
0x20: {  	[sflag:s8] =	ssyncset.s32 @!p0 $0xFFFFF086;
	s6 =	sadd.s32 @!p0 s3, s7;
	s7 =	simm.s32 @!p0 $0x108  }
0x21: {  	s3 =	sadd.s32 s3, s9;
	s6 =	sadd.s32 @!p0 $0x88, s6;
	s7 =	simm.s32 @p2 $0x1082  }
0x22: {  	[simem:s7], [sflag:s8] =	dma.local @!p0 [hbm:s6], $0xF7A  }
0x23: {  	s9 =	sor.u32 $0xD0000000, s2;
	s6 =	simm.s32 $0x108;
	_ =	swait.ge @!p0 [sflag:s8], $0x0  }
0x24: {  	s3 =	sadd.s32 $0x88, s3;
	s6 =	simm.s32 @!p1 $0x1082;
	[sflag:s4] =	ssyncset.s32 $0xFFFFF086  }
0x25: {  	[simem:s6], [sflag:s4] =	dma.local [hbm:s3], $0xF7A  }
0x26: {  	[smem:$0x3F96] =	sst s1;
	(tag) =	ssettag s2;
	_ =	strace s9  }
0x27: {  	s1 =	sld [smem:$0x3FA6]  }
0x28: {  	s2 =	sld [smem:$0x3FA7]  }
0x29: {  	s4 =	sld [smem:$0x3FA9]  }
0x2a: {  	p0 =	seq.s32 s5, $0x0;
	s5 =	sld [smem:$0x3FAA]  }
0x2b: {  	s6 =	sld [smem:$0x3FAB]  }
0x2c: {  	s7 =	sld [smem:$0x3FAC]  }
0x2d: {  	s3 =	simm.s32 $0x108;
	s8 =	sld [smem:$0x3FAD]  }
0x2e: {  	s3 =	simm.s32 @!p0 $0x1082;
	s9 =	sld [smem:$0x3FAE]  }
0x2f: {  	lr =	sadd.s32 s0, s3;
	s0 =	sld [smem:$0x3FA5]  }
0x30: {  	s3 =	sld [smem:$0x3FA8]  }
0x31: {  	[smem:$0x3FB1] =	sst s10  }
0x32: {  	s10 =	sld [smem:$0x3FAF];
	_ =	sdelay $0x3  }
0x33: {  	p0 =	seq.s32 s10, $0x1;
	s10 =	sld [smem:$0x3FB1];
	_ =	sdelay $0x3  }
0x34: {  	[smem:$0x3FB1] =	sst s10  }
0x35: {  	s10 =	sld [smem:$0x3FB0];
	_ =	sdelay $0x3  }
0x36: {  	p1 =	seq.s32 s10, $0x1;
	s10 =	sld [smem:$0x3FB1];
	_ =	sdelay $0x3  }
0x37: {  	[smem:$0x3FB1] =	sst s10  }
0x38: {  	s10 =	sld [smem:$0x3FB2]  }
0x39: {  	_ = 	snop;
	(pc) =	sbr.ind lr, $3  }
0x3a: {  	_ = 	snop  }
0x3b: {  	_ = 	snop  }
0x3c: {  	p2 =	seq.s32 s10, $0x1;
	s10 =	sld [smem:$0x3FB1]  }
0x3d: {  	_ =	shalt  }
0x3e: {  	_ =	shalt  }
0x3f: {  	_ =	shalt  }
0x40: {  	_ =	shalt  }
0x41: {  	_ =	shalt  }
0x42: {  	_ =	shalt  }
0x43: {  	_ =	shalt  }
0x44: {  	_ =	shalt  }
0x45: {  	_ =	shalt  }
0x46: {  	_ =	shalt  }
0x47: {  	_ =	shalt  }
0x48: {  	_ =	shalt  }
0x49: {  	_ =	shalt  }
0x4a: {  	_ =	shalt  }
0x4b: {  	_ =	shalt  }
0x4c: {  	_ =	shalt  }
0x4d: {  	_ =	shalt  }
0x4e: {  	_ =	shalt  }
0x4f: {  	_ =	shalt  }
0x50: {  	_ =	shalt  }
0x51: {  	_ =	shalt  }
0x52: {  	_ =	shalt  }
0x53: {  	_ =	shalt  }
0x54: {  	_ =	shalt  }
0x55: {  	_ =	shalt  }
0x56: {  	_ =	shalt  }
0x57: {  	_ =	shalt  }
0x58: {  	_ =	shalt  }
0x59: {  	_ =	shalt  }
0x5a: {  	_ =	shalt  }
0x5b: {  	_ =	shalt  }
0x5c: {  	_ =	shalt  }
0x5d: {  	_ =	shalt  }
0x5e: {  	_ =	shalt  }
0x5f: {  	_ =	shalt  }
0x60: {  	_ =	shalt  }
0x61: {  	_ =	shalt  }
0x62: {  	_ =	shalt  }
0x63: {  	_ =	shalt  }
0x64: {  	_ =	shalt  }
0x65: {  	_ =	shalt  }
0x66: {  	_ =	shalt  }
0x67: {  	_ =	shalt  }
0x68: {  	_ =	shalt  }
0x69: {  	_ =	shalt  }
0x6a: {  	_ =	shalt  }
0x6b: {  	_ =	shalt  }
0x6c: {  	_ =	shalt  }
0x6d: {  	_ =	shalt  }
0x6e: {  	_ =	shalt  }
0x6f: {  	_ =	shalt  }
0x70: {  	_ =	shalt  }
0x71: {  	_ =	shalt  }
0x72: {  	_ =	shalt  }
0x73: {  	_ =	shalt  }
0x74: {  	_ =	shalt  }
0x75: {  	_ =	shalt  }
0x76: {  	_ =	shalt  }
0x77: {  	_ =	shalt  }
0x78: {  	_ =	shalt  }
0x79: {  	_ =	shalt  }
0x7a: {  	_ =	shalt  }
0x7b: {  	_ =	shalt  }
0x7c: {  	_ =	shalt  }
0x7d: {  	_ =	shalt  }
0x7e: {  	_ =	shalt  }
0x7f: {  	_ =	shalt  }
0x80: {  	_ =	shalt  }
0x81: {  	_ =	shalt  }
0x82: {  	_ =	shalt  }
0x83: {  	_ =	shalt  }
0x84: {  	_ =	shalt  }
0x85: {  	_ =	shalt  }
0x86: {  	_ =	shalt  }
0x87: {  	_ =	shalt  }
.Lfunc_end0:
.L_simem_size_0:
called_computation.1_lowered:
.L_overlay_start_0:
0x88: {  	s2 =	sld [smem:$0x3FD9]  }
0x89: {  	s3 =	sld [smem:$0x3FFE];
	_ =	sdelay $0x1  }
0x8a: {  	s1 =	srdreg.scid  }
0x8b: {  	s0 =	sand.u32 $0x1, s1  }
0x8c: {  	s14 =	sshll.u32 s0, $0xA;
	s2 =	sadd.s32 s3, s2  }
0x8d: {  	s2 =	sadd.s32 s2, s14  }
0x8e: {  	[smem:$0x3FBD] =	sst s2  }
0x8f: {  	_ = 	snop  }
0x90: {  	s2 =	sld [smem:$0x3FD0];
	_ =	sdelay $0x2  }
0x91: {  	s15 =	simm.s32 $0xA;
	s4 =	simm.s32 $0x10  }
0x92: {  	[smem:s4], [sflag:s15] =	dma.local [hbm:s2], $0x1  }
0x93: {  	_ =	swait.eq [sflag:s15], $0x1  }
0x94: {  	[sflag:s15] =	ssyncset.done $0x0  }
0x95: {  	[sflag:s15] =	ssyncadd.s32 $0xFFFFFFFF  }
0x96: {  	s16 =	sld [smem:$0x11];
	(tm) =	ssettm $0x1  }
0x97: {  	s17 =	sld [smem:$0x3FFB];
	_ =	sdelay $0x3  }
0x98: {  	_ =	strace s17  }
0x99: {  	s3 =	sld [smem:$0x3FFC];
	_ =	sdelay $0x3  }
0x9a: {  	_ =	strace s3  }
0x9b: {  	s3 =	sld [smem:$0x3FFD];
	_ =	sdelay $0x3  }
0x9c: {  	_ =	strace s3  }
0x9d: {  	_ =	strace $0x8FFFFFFF  }
0x9e: {  	s18 =	sld [smem:$0x3FDB];
	_ =	sdelay $0x1  }
0x9f: {  	s19 =	simm.s32 $_scs_section_size  }
0xa0: {  	s5 =	simm.s32 $_size__tile_overlayer_lowered;
	s6 =	simm.s32 $_tile_overlayer_lowered  }
0xa1: {  	s22 =	simm.s32 $0x1BFF;
	s21 =	sshll.u32 s6, $0x1;
	s3 =	sadd.s32 s19, s18  }
0xa2: {  	s7 =	simm.s32 $0x0;
	s20 =	sshll.u32 s5, $0x1;
	s5 =	sadd.s32 s21, s3  }
0xa3: {  	[timem:s7], [sflag:s22] =	dma.local [hbm:s5], s20  }
0xa4: {  	_ =	swait.ge [sflag:s22], s20  }
0xa5: {  	s4 =	ssub.s32 $0x0, s20;
	[sflag:s22] =	ssyncset.done $0x0  }
0xa6: {  	[sflag:s22] =	ssyncadd.s32 s4;
	_ =	sdelay $0x1  }
0xa7: {  	s23 =	simm.s32 $0x1B8B  }
0xa8: {  	_ =	swait.ge [sflag:s23], $0x1  }
0xa9: {  	[sflag:s23] =	ssyncset.done $0x0  }
0xaa: {  	s25 =	simm.s32 $0x1B8E;
	s24 =	sld [smem:$0x3FFE];
	[sflag:s23] =	ssyncadd.s32 $0xFFFFFFFF  }
0xab: {  	s26 =	simm.s32 $execute0_lowered;
	[smem:$0x3FD2] =	sst s25  }
0xac: {  	s5 =	sshll.u32 s26, $0x1;
	_ =	strace $0x80000049;
	[dreg:$0x1] =	wrdreg $0xFFFFFFFF  }
0xad: {  	s28 =	simm.s32 $_size_execute0_lowered;
	s3 =	sadd.s32 s3, s5;
	[dreg:$0x0] =	wrdreg $0x0  }
0xae: {  	s5 =	sshll.u32 s28, $0x1;
	[dreg:$0x2] =	wrdreg s3  }
0xaf: {  	[dreg:$0x3] =	wrdreg s5  }
0xb0: {  	[dreg:$0x4] =	wrdreg $0xC0  }
0xb1: {  	_ =	task [dreg:s7], $0x5FFFF  }
0xb2: {  	[dreg:$0x1] =	wrdreg $0xFFFFFFFF  }
0xb3: {  	[dreg:$0x0] =	wrdreg $0x60  }
0xb4: {  	[dreg:$0x2] =	wrdreg s24  }
0xb5: {  	[dreg:$0x3] =	wrdreg s16  }
0xb6: {  	[dreg:$0x4] =	wrdreg $0x50000  }
0xb7: {  	[dreg:$0x5] =	wrdreg $0x50100  }
0xb8: {  	[dreg:$0x6] =	wrdreg $0x9  }
0xb9: {  	_ =	task.clear_ibuf [dreg:s7], $0x7FFFF;
	_ =	strace $0x90000049  }
0xba: {  	s29 =	simm.s32 $0x9;
	_ =	strace $0x8000004B  }
0xbb: {  	_ =	swait.ge [sflag:s29], $0x1  }
0xbc: {  	[sflag:s29] =	ssyncadd.s32 $0xFFFFFFFF  }
0xbd: {  	_ =	strace $0x9000004B  }
0xbe: {  	_ =	sfence  }
0xbf: {  	s30 =	sld [smem:$0x0];
	_ =	sdelay $0x2  }
0xc0: {  	s31 =	sshll.u32 s1, $0xD;
	s1 =	sshrl.u32 s1, $0x2  }
0xc1: {  	s3 =	sand.u32 $0x4000, s31;
	s1 =	sadd.s32 s1, s30  }
0xc2: {  	s0 =	sor.u32 s3, s0;
	s1 =	sshll.u32 s1, $0x11  }
0xc3: {  	s0 =	sor.u32 s1, s0  }
0xc4: {  	s0 =	sadd.s32 $0x8F2B, s0  }
0xc5: {  	[sflag:s0] =	ssyncadd.remote.s32 $0x1  }
0xc6: {  	_ =	sfence.sel $0xFFFF  }
0xc7: {  	[dreg:$0x0] =	wrdreg $0xFFFFFFFF;
	(pc) =	sbr.abs _section_cstart, $3  }
0xc8: {  	[dreg:$0x1] =	wrdreg $0xFFFFFFFF  }
0xc9: {  	_ =	task.clear_ibuf [dreg:s7], $0x2FFFF;
	_ =	strace $0x9FFFFFFF  }
0xca: {  	(tm) =	ssettm $0x7FFFFFFF  }
0xcb: {  	_ =	shalt  }
tec
execute0_lowered:
.L_overlay_start_1:
0x0: {  	(tag) =	ssettag $0x1  }
0x1: {  	s4 =	rddreg [dreg:$0x0]  }
0x2: {  	s8 =	rddreg [dreg:$0x1]  }
0x3: {  	s1 =	rddreg [dreg:$0x2]  }
0x4: {  	s2 =	rddreg [dreg:$0x3]  }
0x5: {  	s0 =	rddreg [dreg:$0x4];
	s3 =	simm.s32 $0x0;
	s5 =	srdreg.scid  }
0x6: {  	s9 =	stileid.u32;
	s13 =	simm.s32 $0x1;
	s14 =	simm.s32 $0x1000  }
0x7: {  	s15 =	simm.s32 $0x4000;
	s16 =	simm.s32 $0x80;
	s17 =	simm.s32 $0x0  }
0x8: {  	[smem:$0x7FF] =	sst s3;
	s7 =	sand.u32 $0x1, s5;
	s30 =	sshll.u32 s9, $0xA  }
0x9: {  	p0 =	sne.s32 s9, $0x0;
	s6 =	sshll.u32 s7, $0x9;
	s10 =	ssub.s32 $0x2, s7  }
0xa: {  	_ =	strace $0x8000004A;
	s12 =	sshll.u32 s7, $0x5;
	s5 =	sor.u32 s6, s30  }
0xb: {  	s31 =	sshrl.u32 s10, $0x1;
	s8 =	sadd.s32 s8, s12;
	s12 =	sshrl.u32 @!p0 s2, $0x3  }
0xc: {  	s11 =	sadd.s32 s5, s4;
	s4 =	sadd.s32 $0x64200, s4;
	s10 =	ssub.s32 s10, s31  }
0xd: {  	s9 =	sadd.s32 $0x10, s8;
	s5 =	sadd.s32 $0x2200, s11;
	s6 =	sadd.s32 $0x6200, s11  }
0xe: {  	s7 =	sadd.s32 $0x6D800, s11;
	s10 =	smax.u32 s10, $0x1;
	s11 =	sshrl.u32 @!p0 s1, $0x3  }
.LBB2_1:
0xf: {  	s18 =	simm.s32 @!p0 $0x1C01;
	s19 =	simm.s32 @!p0 $0x1  }
0x10: {  	[spmem:s11], [sflag:s18] =	dma.local @!p0 [hbm:s4], $0x20  }
0x11: {  	_ =	swait.ge @!p0 [sflag:s19], $0x20  }
0x12: {  	[sflag:s19] =	ssyncset.done @!p0 $0x0  }
0x13: {  	[sflag:s19] =	ssyncadd.s32 @!p0 $0xFFFFFFE0  }
0x14: {  	[spmem:s12], [sflag:s18] =	dma.local @!p0 [hbm:s4], $0x20  }
0x15: {  	_ =	swait.ge @!p0 [sflag:s19], $0x20  }
0x16: {  	[sflag:s19] =	ssyncset.done @!p0 $0x0  }
0x17: {  	[sflag:s19] =	ssyncadd.s32 @!p0 $0xFFFFFFE0  }
0x18: {  	[tilespmem:s3], [sflag:$0x1] =	stream.linear.gather [hbm4b:s5+s3], $0xC80, $0x38;
	[tilespmem:$0x5020] =	vst v63  }
0x19: {  	_ =	swait.ge [sflag:s13], $0xC80  }
0x1a: {  	[sflag:s13] =	ssyncset.done $0x0  }
0x1b: {  	[sflag:s13] =	ssyncadd.s32 $0xFFFFF380  }
0x1c: {  	[tilespmem:s14], [sflag:$0x1] =	stream.linear.gather [hbm4b:s6+s3], $0xC80, $0x38;
	[tilespmem:$0x5020] =	vst v63  }
0x1d: {  	_ =	swait.ge [sflag:s13], $0xC80  }
0x1e: {  	[sflag:s13] =	ssyncset.done $0x0  }
0x1f: {  	[sflag:s13] =	ssyncadd.s32 $0xFFFFF380  }
0x20: {  	[tilespmem:s15], [sflag:$0x1] =	stream.linear.gather [hbm4b:s7+s3], $0xC80, $0x38;
	[tilespmem:$0x5020] =	vst v63  }
0x21: {  	_ =	swait.ge [sflag:s13], $0xC80  }
0x22: {  	[sflag:s13] =	ssyncset.done $0x0  }
0x23: {  	s18 =	simm.s32 $0x0;
	[sflag:s13] =	ssyncadd.s32 $0xFFFFF380  }
0x24: {  	v0 =	vld [tilespmem:s18+$0x70]  }
0x25: {  	v1 =	vld [tilespmem:s18+$0x1070]  }
0x26: {  	v2 =	vld [tilespmem:s18+$0x0]  }
0x27: {  	v3 =	vld [tilespmem:s18+$0x1000]  }
0x28: {  	v4 =	vld [tilespmem:s18+$0x10]  }
0x29: {  	v5 =	vld [tilespmem:s18+$0x1010]  }
0x2a: {  	v6 =	vld [tilespmem:s18+$0x20];
	v0 =	vadd.f32 v1, v0  }
0x2b: {  	v7 =	vld [tilespmem:s18+$0x1020]  }
0x2c: {  	v8 =	vld [tilespmem:s18+$0x30];
	v1 =	vadd.f32 v3, v2;
	[tilespmem:s18+$0x2070] =	vst v0;
	v0 =	vmul.f32 v0, v0  }
0x2d: {  	v9 =	vld [tilespmem:s18+$0x1030]  }
0x2e: {  	v10 =	vld [tilespmem:s18+$0x40];
	[tilespmem:s18+$0x3070] =	vst v0;
	v0 =	vmul.f32 v1, v1  }
0x2f: {  	v11 =	vld [tilespmem:s18+$0x1040];
	[tilespmem:s18+$0x2000] =	vst v1;
	v1 =	vadd.f32 v5, v4  }
0x30: {  	v3 =	vld [tilespmem:s18+$0x1050];
	v4 =	vadd.f32 v7, v6;
	[tilespmem:s18+$0x3000] =	vst v0  }
0x31: {  	v0 =	vld [tilespmem:s18+$0x50];
	v2 =	vmul.f32 v1, v1;
	[tilespmem:s18+$0x2010] =	vst v1  }
0x32: {  	v5 =	vadd.f32 v9, v8;
	v1 =	vld [tilespmem:s18+$0x60];
	[tilespmem:s18+$0x2020] =	vst v4;
	v6 =	vmul.f32 v4, v4  }
0x33: {  	s19 =	simm.s32 $0x80;
	v4 =	vld [tilespmem:s18+$0x1060];
	[tilespmem:s18+$0x3010] =	vst v2  }
0x34: {  	s20 =	simm.s32 $0x400;
	v7 =	vmul.f32 v5, v5;
	v2 =	vld [tilespmem:s19+$0x70];
	[tilespmem:s18+$0x3020] =	vst v6;
	v6 =	vadd.f32 v11, v10  }
.LBB2_2:
0x35: {  	p1 =	sne.s32 s20, $0x3000;
	v8 =	vld [tilespmem:s19+$0x1070];
	[tilespmem:s18+$0x2030] =	vst v5  }
0x36: {  	v5 =	vld [tilespmem:s19+$0x0];
	[tilespmem:s18+$0x3030] =	vst v7;
	v7 =	vmul.f32 v6, v6;
	v0 =	vadd.f32 v3, v0  }
0x37: {  	v3 =	vld [tilespmem:s19+$0x1000];
	[tilespmem:s18+$0x2040] =	vst v6  }
0x38: {  	v6 =	vld [tilespmem:s19+$0x10];
	[tilespmem:s18+$0x3040] =	vst v7;
	v7 =	vmul.f32 v0, v0;
	v1 =	vadd.f32 v4, v1  }
0x39: {  	v4 =	vld [tilespmem:s19+$0x1010];
	[tilespmem:s18+$0x2050] =	vst v0  }
0x3a: {  	v0 =	vld [tilespmem:s19+$0x20];
	v2 =	vadd.f32 v8, v2;
	[tilespmem:s18+$0x3050] =	vst v7;
	v7 =	vmul.f32 v1, v1  }
0x3b: {  	v8 =	vld [tilespmem:s19+$0x1020];
	[tilespmem:s18+$0x2060] =	vst v1  }
0x3c: {  	v1 =	vadd.f32 v3, v5;
	v5 =	vld [tilespmem:s19+$0x30];
	v3 =	vmul.f32 v2, v2;
	[tilespmem:s18+$0x3060] =	vst v7;
	s18 =	smov.u32 s19  }
0x3d: {  	v7 =	vld [tilespmem:s18+$0x1030];
	[tilespmem:s18+$0x2070] =	vst v2  }
0x3e: {  	v2 =	vmul.f32 v1, v1;
	v4 =	vadd.f32 v4, v6;
	v6 =	vld [tilespmem:s18+$0x40];
	[tilespmem:s18+$0x3070] =	vst v3  }
0x3f: {  	[tilespmem:s18+$0x2000] =	vst v1;
	v9 =	vld [tilespmem:s18+$0x1040]  }
.Ltmp0:
0x40: {  	[tilespmem:s18+$0x3000] =	vst v2;
	v1 =	vmul.f32 v4, v4;
	v2 =	vadd.f32 v8, v0;
	v0 =	vld [tilespmem:s18+$0x50];
	(pc) =	sbr.rel @p1 .LBB2_2-.Ltmp0, $4  }
0x41: {  	[tilespmem:s18+$0x2010] =	vst v4;
	v3 =	vld [tilespmem:s18+$0x1050]  }
0x42: {  	[tilespmem:s18+$0x3010] =	vst v1;
	v8 =	vmul.f32 v2, v2;
	v5 =	vadd.f32 v7, v5;
	v1 =	vld [tilespmem:s18+$0x60]  }
0x43: {  	s19 =	sshra.s32 s20, $0x2;
	[tilespmem:s18+$0x2020] =	vst v2;
	v4 =	vld [tilespmem:s18+$0x1060]  }
0x44: {  	s20 =	sadd.s32 $0x200, s20;
	v2 =	vld [tilespmem:s19+$0x70];
	[tilespmem:s18+$0x3020] =	vst v8;
	v7 =	vmul.f32 v5, v5;
	v6 =	vadd.f32 v9, v6  }
0x45: {  	v8 =	vld [tilespmem:s19+$0x1070];
	[tilespmem:s18+$0x2030] =	vst v5  }
0x46: {  	v5 =	vld [tilespmem:s19+$0x0];
	[tilespmem:s18+$0x3030] =	vst v7;
	v9 =	vmul.f32 v6, v6;
	v0 =	vadd.f32 v3, v0  }
0x47: {  	v7 =	vld [tilespmem:s19+$0x1000];
	[tilespmem:s18+$0x2040] =	vst v6  }
0x48: {  	v6 =	vld [tilespmem:s19+$0x10];
	[tilespmem:s18+$0x3040] =	vst v9;
	v48 =	vmul.f32 v0, v0;
	v1 =	vadd.f32 v4, v1  }
0x49: {  	v47 =	vld [tilespmem:s19+$0x1010];
	[tilespmem:s18+$0x2050] =	vst v0  }
0x4a: {  	v0 =	vld [tilespmem:s19+$0x20];
	[tilespmem:s18+$0x3050] =	vst v48;
	v50 =	vmul.f32 v1, v1  }
0x4b: {  	v49 =	vld [tilespmem:s19+$0x1020];
	[tilespmem:s18+$0x2060] =	vst v1  }
0x4c: {  	v1 =	vld [tilespmem:s19+$0x30];
	[tilespmem:s18+$0x3060] =	vst v50  }
0x4d: {  	v2 =	vadd.f32 v8, v2;
	v51 =	vld [tilespmem:s19+$0x1030]  }
0x4e: {  	v5 =	vadd.f32 v7, v5;
	v52 =	vld [tilespmem:s19+$0x40]  }
0x4f: {  	[tilespmem:s19+$0x2070] =	vst v2;
	v2 =	vmul.f32 v2, v2;
	v54 =	vld [tilespmem:s19+$0x1040]  }
0x50: {  	v55 =	vld [tilespmem:s19+$0x50];
	v53 =	vmul.f32 v5, v5;
	[tilespmem:s19+$0x2000] =	vst v5;
	v3 =	vadd.f32 v47, v6  }
0x51: {  	v56 =	vld [tilespmem:s19+$0x1050];
	[tilespmem:s19+$0x3070] =	vst v2  }
0x52: {  	v57 =	vld [tilespmem:s19+$0x60];
	[tilespmem:s19+$0x3000] =	vst v53;
	v6 =	vmul.f32 v3, v3;
	v0 =	vadd.f32 v49, v0  }
0x53: {  	v59 =	vld [tilespmem:s19+$0x1060];
	[tilespmem:s19+$0x2010] =	vst v3  }
0x54: {  	[tilespmem:s19+$0x3010] =	vst v6;
	v58 =	vmul.f32 v0, v0  }
0x55: {  	v1 =	vadd.f32 v51, v1;
	[tilespmem:s19+$0x2020] =	vst v0  }
0x56: {  	v5 =	vadd.f32 v54, v52;
	[tilespmem:s19+$0x3020] =	vst v58  }
0x57: {  	v2 =	vadd.f32 v56, v55;
	[tilespmem:s19+$0x2030] =	vst v1  }
0x58: {  	v0 =	vadd.f32 v59, v57;
	[tilespmem:s19+$0x2040] =	vst v5  }
0x59: {  	v60 =	vmul.f32 v1, v1;
	[tilespmem:s19+$0x2050] =	vst v2  }
0x5a: {  	v61 =	vmul.f32 v5, v5;
	[tilespmem:s19+$0x2060] =	vst v0  }
0x5b: {  	v62 =	vmul.f32 v2, v2;
	[tilespmem:s19+$0x3030] =	vst v60  }
0x5c: {  	v63 =	vmul.f32 v0, v0;
	[tilespmem:s19+$0x3040] =	vst v61  }
0x5d: {  	[tilespmem:s19+$0x3050] =	vst v62  }
0x5e: {  	[tilespmem:s19+$0x3060] =	vst v63  }
0x5f: {  	s29 =	simm.s32 $0x2000;
	s30 =	simm.s32 $0x4000;
	[bflag:$0x0] =	sbarrier.arrive $0xFFFF  }
0x60: {  	[spmem:s1] =	stream.indirect.scatter.add.f32 [tilespmem:s29], [sflag:$0x1], $0x1, s30, s16, $0xb8;
	[tilespmem:$0x5020] =	vst v63  }
0x61: {  	_ =	swait.ge [sflag:s13], $0x80  }
0x62: {  	[sflag:s13] =	ssyncset.done $0x0  }
0x63: {  	s31 =	simm.s32 $0x3000;
	[sflag:s13] =	ssyncadd.s32 $0xFFFFFF80  }
0x64: {  	[spmem:s2] =	stream.indirect.scatter.add.f32 [tilespmem:s31], [sflag:$0x1], $0x1, s30, s16, $0xb8;
	[tilespmem:$0x5020] =	vst v63  }
0x65: {  	_ =	swait.ge [sflag:s13], $0x80  }
0x66: {  	s18 =	simm.s32 $0x80;
	s19 =	simm.s32 $0x400;
	[sflag:s13] =	ssyncset.done $0x0  }
.LBB2_4:
0x67: {  	s20 =	sadd.s32 $0x2000, s18  }
0x68: {  	s21 =	sadd.s32 $0x4000, s18;
	[sflag:s13] =	ssyncadd.s32 $0xFFFFFF80;
	s22 =	smov.u32 s19  }
0x69: {  	[spmem:s1] =	stream.indirect.scatter.add.f32 [tilespmem:s20], [sflag:$0x1], $0x1, s21, s16, $0xb8;
	[tilespmem:$0x5020] =	vst v63  }
0x6a: {  	p1 =	sne.s32 s19, $0x3000;
	s19 =	sadd.s32 $0x200, s19;
	_ =	swait.ge [sflag:s13], $0x80  }
.Ltmp1:
0x6b: {  	[sflag:s13] =	ssyncset.done $0x0;
	(pc) =	sbr.rel @p1 .LBB2_4-.Ltmp1, $4  }
0x6c: {  	s18 =	sadd.s32 $0x3000, s18;
	[sflag:s13] =	ssyncadd.s32 $0xFFFFFF80  }
0x6d: {  	[spmem:s2] =	stream.indirect.scatter.add.f32 [tilespmem:s18], [sflag:$0x1], $0x1, s21, s16, $0xb8;
	[tilespmem:$0x5020] =	vst v63  }
0x6e: {  	_ =	swait.ge [sflag:s13], $0x80  }
0x6f: {  	s18 =	sshra.s32 s22, $0x2;
	[sflag:s13] =	ssyncset.done $0x0  }
0x70: {  	s19 =	sadd.s32 $0x2000, s18;
	s20 =	sadd.s32 $0x4000, s18;
	[sflag:s13] =	ssyncadd.s32 $0xFFFFFF80  }
0x71: {  	[spmem:s1] =	stream.indirect.scatter.add.f32 [tilespmem:s19], [sflag:$0x1], $0x1, s20, s16, $0xb8;
	[tilespmem:$0x5020] =	vst v63  }
0x72: {  	_ =	swait.ge [sflag:s13], $0x80  }
0x73: {  	[sflag:s13] =	ssyncset.done $0x0  }
0x74: {  	s31 =	sadd.s32 $0x3000, s18;
	[sflag:s13] =	ssyncadd.s32 $0xFFFFFF80  }
0x75: {  	[spmem:s2] =	stream.indirect.scatter.add.f32 [tilespmem:s31], [sflag:$0x1], $0x1, s20, s16, $0xb8;
	[tilespmem:$0x5020] =	vst v63  }
0x76: {  	_ =	swait.ge [sflag:s13], $0x80  }
0x77: {  	[sflag:s13] =	ssyncset.done $0x0  }
0x78: {  	[sflag:s13] =	ssyncadd.s32 $0xFFFFFF80  }
0x79: {  	s18 =	simm.s32 @!p0 $0x1C01;
	s19 =	simm.s32 @!p0 $0x1;
	[bflag:$0x0] =	sbarrier.arrive $0xFFFF  }
0x7a: {  	[hbm:s8], [sflag:s18] =	dma.local @!p0 [spmem:s11], $0x10  }
0x7b: {  	s17 =	sadd.s32 $0x1, s17;
	_ =	swait.ge @!p0 [sflag:s19], $0x10  }
0x7c: {  	p1 =	sne.s32 s17, s10;
	[sflag:s19] =	ssyncset.done @!p0 $0x0  }
.Ltmp2:
0x7d: {  	[sflag:s19] =	ssyncadd.s32 @!p0 $0xFFFFFFF0;
	(pc) =	sbr.rel @p1 .LBB2_1-.Ltmp2, $4  }
0x7e: {  	[hbm:s9], [sflag:s18] =	dma.local @!p0 [spmem:s12], $0x10  }
0x7f: {  	_ =	swait.ge @!p0 [sflag:s19], $0x10  }
0x80: {  	[sflag:s19] =	ssyncset.done @!p0 $0x0  }
0x81: {  	[sflag:s19] =	ssyncadd.s32 @!p0 $0xFFFFFFF0  }
0x82: {  	_ =	sfence.sel $0x180000  }
0x83: {  	[bflag:$0x0] =	sbarrier.arrive $0xFFFF  }
0x84: {  	_ =	strace $0x9000004A  }
0x85: {  	s0 =	sadd.s32 @!p0 $0x100000, s0;
	[bflag:$0x2] =	sbarrier.arrive $0xFFFF  }
0x86: {  	[sflag:s0] =	ssyncadd.tile.s32 @!p0 $0x1;
	_ =	shalt  }
.Lfunc_end2:
_tile_overlayer_lowered:
.L_overlay_start_2:
0x87: {  	(tag) =	ssettag $0x2  }
0x88: {  	s0 =	rddreg [dreg:$0x0];
	s2 =	stileid.u32  }
0x89: {  	s1 =	rddreg [dreg:$0x1];
	p0 =	sne.s32 s2, $0x0  }
0x8a: {  	s3 =	rddreg [dreg:$0x2];
	[bflag:$0x3] =	sbarrier.arrive $0xFFFF;
	s2 =	simm.s32 @!p0 $0x1C01  }
0x8b: {  	[timem:s3], [sflag:s2] =	dma.local @!p0 [hbm:s0], s1  }
0x8c: {  	s0 =	simm.s32 @!p0 $0x1  }
0x8d: {  	_ =	swait.ge @!p0 [sflag:s0], s1  }
0x8e: {  	s1 =	ssub.s32 @!p0 $0x0, s1;
	[sflag:s0] =	ssyncset.done @!p0 $0x0  }
0x8f: {  	[sflag:s0] =	ssyncadd.s32 @!p0 s1  }
0x90: {  	[bflag:$0x3] =	sbarrier.arrive $0xFFFF  }
0x91: {  	_ =	shalt  }

// kernel: kernel.7.cloned.1.call-start
scs
__scs_entry_jumppad:
0x0: {  	(pc) =	sbr.rel $0x88, $3  }
0x1: {  	(tag) =	ssettag $0x0;
	lr =	simm.s32 $0x1  }
0x2: {  	[smem:$0x3F96] =	sst lr;
	_ =	strace $0xD0000000  }
0x3: {  	_ = 	snop  }
0x4: {  	_ = 	snop  }
0x5: {  	_ = 	snop  }
0x6: {  	_ = 	snop  }
0x7: {  	_ = 	snop  }
__scs_overlays_trampoline_lowered:
0x8: {  	[smem:$0x3FA5] =	sst s0  }
0x9: {  	[smem:$0x3FA6] =	sst s1  }
0xa: {  	[smem:$0x3FA7] =	sst s2  }
0xb: {  	[smem:$0x3FA8] =	sst s3  }
0xc: {  	[smem:$0x3FA9] =	sst s4  }
0xd: {  	[smem:$0x3FAA] =	sst s5  }
0xe: {  	[smem:$0x3FAB] =	sst s6  }
0xf: {  	[smem:$0x3FAC] =	sst s7  }
0x10: {  	[smem:$0x3FAD] =	sst s8  }
0x11: {  	[smem:$0x3FAE] =	sst s9;
	s0 =	simm.s32 @!p0 $0x0  }
0x12: {  	s1 =	sld [smem:$0x3F94];
	s0 =	simm.s32 @p0 $0x1  }
0x13: {  	[smem:$0x3FAF] =	sst s0;
	s0 =	simm.s32 @!p1 $0x0  }
0x14: {  	s2 =	sld [smem:$0x3F93];
	s0 =	simm.s32 @p1 $0x1  }
0x15: {  	[smem:$0x3FB0] =	sst s0;
	s0 =	simm.s32 @!p2 $0x0  }
0x16: {  	s3 =	sld [smem:$0x3FDB];
	s0 =	simm.s32 @p2 $0x1  }
0x17: {  	s4 =	simm.s32 $0x1BF5;
	[smem:$0x3FB2] =	sst s0  }
0x18: {  	s0 =	sld [smem:$0x3F95];
	_ =	swait.ge [sflag:s4], $0x0  }
0x19: {  	s7 =	sld [smem:$0x3F96]  }
0x1a: {  	s8 =	sadd.s32 $0xFFFFE003, lr  }
0x1b: {  	s9 =	sadd.s32 $0xFFFFFEF7, lr;
	s5 =	simm.s32 $0xFFFFFFFF;
	p2 =	slt.u32 s8, $0xFFFFF086  }
0x1c: {  	p1 =	slt.u32 s9, $0xF7A;
	s5 =	simm.s32 @!p2 $0x0  }
0x1d: {  	s5 =	simm.s32 @p1 $0x1;
	p0 =	seq.s32 s7, s2  }
0x1e: {  	s7 =	smul.u32 @!p0 $0xF7A, s2;
	p2 =	seq.s32 @!p0 s5, $0x0  }
0x1f: {  	s9 =	smul.u32 $0xF7A, s1;
	s8 =	simm.s32 @!p0 $0x1BF5;
	p2 =	por !p2, p0  }
0x20: {  	[sflag:s8] =	ssyncset.s32 @!p0 $0xFFFFF086;
	s6 =	sadd.s32 @!p0 s3, s7;
	s7 =	simm.s32 @!p0 $0x108  }
0x21: {  	s3 =	sadd.s32 s3, s9;
	s6 =	sadd.s32 @!p0 $0x88, s6;
	s7 =	simm.s32 @p2 $0x1082  }
0x22: {  	[simem:s7], [sflag:s8] =	dma.local @!p0 [hbm:s6], $0xF7A  }
0x23: {  	s9 =	sor.u32 $0xD0000000, s2;
	s6 =	simm.s32 $0x108;
	_ =	swait.ge @!p0 [sflag:s8], $0x0  }
0x24: {  	s3 =	sadd.s32 $0x88, s3;
	s6 =	simm.s32 @!p1 $0x1082;
	[sflag:s4] =	ssyncset.s32 $0xFFFFF086  }
0x25: {  	[simem:s6], [sflag:s4] =	dma.local [hbm:s3], $0xF7A  }
0x26: {  	[smem:$0x3F96] =	sst s1;
	(tag) =	ssettag s2;
	_ =	strace s9  }
0x27: {  	s1 =	sld [smem:$0x3FA6]  }
0x28: {  	s2 =	sld [smem:$0x3FA7]  }
0x29: {  	s4 =	sld [smem:$0x3FA9]  }
0x2a: {  	p0 =	seq.s32 s5, $0x0;
	s5 =	sld [smem:$0x3FAA]  }
0x2b: {  	s6 =	sld [smem:$0x3FAB]  }
0x2c: {  	s7 =	sld [smem:$0x3FAC]  }
0x2d: {  	s3 =	simm.s32 $0x108;
	s8 =	sld [smem:$0x3FAD]  }
0x2e: {  	s3 =	simm.s32 @!p0 $0x1082;
	s9 =	sld [smem:$0x3FAE]  }
0x2f: {  	lr =	sadd.s32 s0, s3;
	s0 =	sld [smem:$0x3FA5]  }
0x30: {  	s3 =	sld [smem:$0x3FA8]  }
0x31: {  	[smem:$0x3FB1] =	sst s10  }
0x32: {  	s10 =	sld [smem:$0x3FAF];
	_ =	sdelay $0x3  }
0x33: {  	p0 =	seq.s32 s10, $0x1;
	s10 =	sld [smem:$0x3FB1];
	_ =	sdelay $0x3  }
0x34: {  	[smem:$0x3FB1] =	sst s10  }
0x35: {  	s10 =	sld [smem:$0x3FB0];
	_ =	sdelay $0x3  }
0x36: {  	p1 =	seq.s32 s10, $0x1;
	s10 =	sld [smem:$0x3FB1];
	_ =	sdelay $0x3  }
0x37: {  	[smem:$0x3FB1] =	sst s10  }
0x38: {  	s10 =	sld [smem:$0x3FB2]  }
0x39: {  	_ = 	snop;
	(pc) =	sbr.ind lr, $3  }
0x3a: {  	_ = 	snop  }
0x3b: {  	_ = 	snop  }
0x3c: {  	p2 =	seq.s32 s10, $0x1;
	s10 =	sld [smem:$0x3FB1]  }
0x3d: {  	_ =	shalt  }
0x3e: {  	_ =	shalt  }
0x3f: {  	_ =	shalt  }
0x40: {  	_ =	shalt  }
0x41: {  	_ =	shalt  }
0x42: {  	_ =	shalt  }
0x43: {  	_ =	shalt  }
0x44: {  	_ =	shalt  }
0x45: {  	_ =	shalt  }
0x46: {  	_ =	shalt  }
0x47: {  	_ =	shalt  }
0x48: {  	_ =	shalt  }
0x49: {  	_ =	shalt  }
0x4a: {  	_ =	shalt  }
0x4b: {  	_ =	shalt  }
0x4c: {  	_ =	shalt  }
0x4d: {  	_ =	shalt  }
0x4e: {  	_ =	shalt  }
0x4f: {  	_ =	shalt  }
0x50: {  	_ =	shalt  }
0x51: {  	_ =	shalt  }
0x52: {  	_ =	shalt  }
0x53: {  	_ =	shalt  }
0x54: {  	_ =	shalt  }
0x55: {  	_ =	shalt  }
0x56: {  	_ =	shalt  }
0x57: {  	_ =	shalt  }
0x58: {  	_ =	shalt  }
0x59: {  	_ =	shalt  }
0x5a: {  	_ =	shalt  }
0x5b: {  	_ =	shalt  }
0x5c: {  	_ =	shalt  }
0x5d: {  	_ =	shalt  }
0x5e: {  	_ =	shalt  }
0x5f: {  	_ =	shalt  }
0x60: {  	_ =	shalt  }
0x61: {  	_ =	shalt  }
0x62: {  	_ =	shalt  }
0x63: {  	_ =	shalt  }
0x64: {  	_ =	shalt  }
0x65: {  	_ =	shalt  }
0x66: {  	_ =	shalt  }
0x67: {  	_ =	shalt  }
0x68: {  	_ =	shalt  }
0x69: {  	_ =	shalt  }
0x6a: {  	_ =	shalt  }
0x6b: {  	_ =	shalt  }
0x6c: {  	_ =	shalt  }
0x6d: {  	_ =	shalt  }
0x6e: {  	_ =	shalt  }
0x6f: {  	_ =	shalt  }
0x70: {  	_ =	shalt  }
0x71: {  	_ =	shalt  }
0x72: {  	_ =	shalt  }
0x73: {  	_ =	shalt  }
0x74: {  	_ =	shalt  }
0x75: {  	_ =	shalt  }
0x76: {  	_ =	shalt  }
0x77: {  	_ =	shalt  }
0x78: {  	_ =	shalt  }
0x79: {  	_ =	shalt  }
0x7a: {  	_ =	shalt  }
0x7b: {  	_ =	shalt  }
0x7c: {  	_ =	shalt  }
0x7d: {  	_ =	shalt  }
0x7e: {  	_ =	shalt  }
0x7f: {  	_ =	shalt  }
0x80: {  	_ =	shalt  }
0x81: {  	_ =	shalt  }
0x82: {  	_ =	shalt  }
0x83: {  	_ =	shalt  }
0x84: {  	_ =	shalt  }
0x85: {  	_ =	shalt  }
0x86: {  	_ =	shalt  }
0x87: {  	_ =	shalt  }
.Lfunc_end0:
.L_simem_size_0:
called_computation_lowered:
.L_overlay_start_0:
0x88: {  	s2 =	sld [smem:$0x3FD9]  }
0x89: {  	s3 =	sld [smem:$0x3FFE];
	_ =	sdelay $0x1  }
0x8a: {  	s1 =	srdreg.scid  }
0x8b: {  	s0 =	sand.u32 $0x1, s1  }
0x8c: {  	s14 =	sshll.u32 s0, $0xA;
	s2 =	sadd.s32 s3, s2  }
0x8d: {  	s2 =	sadd.s32 s2, s14  }
0x8e: {  	[smem:$0x3FBD] =	sst s2  }
0x8f: {  	_ = 	snop  }
0x90: {  	s2 =	sld [smem:$0x3FD0];
	_ =	sdelay $0x2  }
0x91: {  	s15 =	simm.s32 $0xA;
	s4 =	simm.s32 $0x10  }
0x92: {  	[smem:s4], [sflag:s15] =	dma.local [hbm:s2], $0x1  }
0x93: {  	_ =	swait.eq [sflag:s15], $0x1  }
0x94: {  	[sflag:s15] =	ssyncset.done $0x0  }
0x95: {  	[sflag:s15] =	ssyncadd.s32 $0xFFFFFFFF  }
0x96: {  	s16 =	sld [smem:$0x11];
	(tm) =	ssettm $0x1  }
0x97: {  	s17 =	sld [smem:$0x3FFB];
	_ =	sdelay $0x3  }
0x98: {  	_ =	strace s17  }
0x99: {  	s3 =	sld [smem:$0x3FFC];
	_ =	sdelay $0x3  }
0x9a: {  	_ =	strace s3  }
0x9b: {  	s3 =	sld [smem:$0x3FFD];
	_ =	sdelay $0x3  }
0x9c: {  	_ =	strace s3  }
0x9d: {  	_ =	strace $0x8FFFFFFF  }
0x9e: {  	s18 =	sld [smem:$0x3FDB];
	_ =	sdelay $0x1  }
0x9f: {  	s19 =	simm.s32 $_scs_section_size  }
0xa0: {  	s5 =	simm.s32 $_size__tile_overlayer_lowered;
	s6 =	simm.s32 $_tile_overlayer_lowered  }
0xa1: {  	s22 =	simm.s32 $0x1BFF;
	s21 =	sshll.u32 s6, $0x1;
	s3 =	sadd.s32 s19, s18  }
0xa2: {  	s7 =	simm.s32 $0x0;
	s20 =	sshll.u32 s5, $0x1;
	s5 =	sadd.s32 s21, s3  }
0xa3: {  	[timem:s7], [sflag:s22] =	dma.local [hbm:s5], s20  }
0xa4: {  	_ =	swait.ge [sflag:s22], s20  }
0xa5: {  	s4 =	ssub.s32 $0x0, s20;
	[sflag:s22] =	ssyncset.done $0x0  }
0xa6: {  	[sflag:s22] =	ssyncadd.s32 s4;
	_ =	sdelay $0x1  }
0xa7: {  	s23 =	simm.s32 $0x1B8B  }
0xa8: {  	_ =	swait.ge [sflag:s23], $0x1  }
0xa9: {  	[sflag:s23] =	ssyncset.done $0x0  }
0xaa: {  	s25 =	simm.s32 $0x1B8E;
	s24 =	sld [smem:$0x3FFE];
	[sflag:s23] =	ssyncadd.s32 $0xFFFFFFFF  }
0xab: {  	s26 =	simm.s32 $execute0_lowered;
	[smem:$0x3FD2] =	sst s25  }
0xac: {  	s5 =	sshll.u32 s26, $0x1;
	_ =	strace $0x80000046;
	[dreg:$0x1] =	wrdreg $0xFFFFFFFF  }
0xad: {  	s28 =	simm.s32 $_size_execute0_lowered;
	s3 =	sadd.s32 s3, s5;
	[dreg:$0x0] =	wrdreg $0x0  }
0xae: {  	s5 =	sshll.u32 s28, $0x1;
	[dreg:$0x2] =	wrdreg s3  }
0xaf: {  	[dreg:$0x3] =	wrdreg s5  }
0xb0: {  	[dreg:$0x4] =	wrdreg $0xC0  }
0xb1: {  	_ =	task [dreg:s7], $0x5FFFF  }
0xb2: {  	[dreg:$0x1] =	wrdreg $0xFFFFFFFF  }
0xb3: {  	[dreg:$0x0] =	wrdreg $0x60  }
0xb4: {  	[dreg:$0x2] =	wrdreg s24  }
0xb5: {  	[dreg:$0x3] =	wrdreg s16  }
0xb6: {  	[dreg:$0x4] =	wrdreg $0xC000  }
0xb7: {  	[dreg:$0x5] =	wrdreg $0x9  }
0xb8: {  	_ =	task.clear_ibuf [dreg:s7], $0x6FFFF;
	_ =	strace $0x90000046  }
0xb9: {  	s29 =	simm.s32 $0x9;
	_ =	strace $0x80000048  }
0xba: {  	_ =	swait.ge [sflag:s29], $0x1  }
0xbb: {  	[sflag:s29] =	ssyncadd.s32 $0xFFFFFFFF  }
0xbc: {  	_ =	strace $0x90000048  }
0xbd: {  	_ =	sfence  }
0xbe: {  	s30 =	sld [smem:$0x0];
	_ =	sdelay $0x2  }
0xbf: {  	s31 =	sshll.u32 s1, $0xD;
	s1 =	sshrl.u32 s1, $0x2  }
0xc0: {  	s3 =	sand.u32 $0x4000, s31;
	s1 =	sadd.s32 s1, s30  }
0xc1: {  	s0 =	sor.u32 s3, s0;
	s1 =	sshll.u32 s1, $0x11  }
0xc2: {  	s0 =	sor.u32 s1, s0  }
0xc3: {  	s0 =	sadd.s32 $0x8F2B, s0  }
0xc4: {  	[sflag:s0] =	ssyncadd.remote.s32 $0x1  }
0xc5: {  	_ =	sfence.sel $0xFFFF  }
0xc6: {  	[dreg:$0x0] =	wrdreg $0xFFFFFFFF;
	(pc) =	sbr.abs _section_cstart, $3  }
0xc7: {  	[dreg:$0x1] =	wrdreg $0xFFFFFFFF  }
0xc8: {  	_ =	task.clear_ibuf [dreg:s7], $0x2FFFF;
	_ =	strace $0x9FFFFFFF  }
0xc9: {  	(tm) =	ssettm $0x7FFFFFFF  }
tec
execute0_lowered:
.L_overlay_start_1:
0x0: {  	(tag) =	ssettag $0x1  }
0x1: {  	s0 =	rddreg [dreg:$0x0]  }
0x2: {  	s3 =	rddreg [dreg:$0x2];
	s4 =	simm.s32 $0x0;
	s11 =	stileid.u32  }
0x3: {  	s2 =	srdreg.scid;
	s13 =	simm.s32 $0x800;
	s14 =	simm.s32 $0x80  }
0x4: {  	s15 =	simm.s32 $0x880;
	s28 =	simm.s32 $0xB80;
	s29 =	simm.s32 $0x400  }
0x5: {  	s30 =	simm.s32 $0x3;
	s31 =	simm.s32 $0x2;
	s12 =	simm.s32 $0x0  }
0x6: {  	[smem:$0x7FF] =	sst s4;
	s1 =	smul.u32 $0x1900, s11;
	s2 =	sand.u32 $0x1, s2  }
0x7: {  	s6 =	smul.u32 $0x3200, s11;
	s7 =	sadd.s32 $0x2200, s0;
	s9 =	sshll.u32 s11, $0x1  }
0x8: {  	s21 =	sshll.u32 s11, $0x6;
	s22 =	smul.u32 $0x6200, s11;
	_ =	strace $0x80000047  }
0x9: {  	s8 =	sshll.u32 s2, $0x7;
	s17 =	ssub.s32 $0x2, s2;
	s9 =	sor.u32 s2, s9  }
0xa: {  	s20 =	sor.u32 $0x1C04, s21;
	s2 =	smul.u32 $0x3100, s2;
	s21 =	simm.s32 $0xA00  }
0xb: {  	s5 =	sshrl.u32 s1, $0x3;
	s6 =	sor.u32 s8, s6;
	s10 =	sshrl.u32 s17, $0x1  }
0xc: {  	s19 =	smul.u32 $0x3100, s9;
	s1 =	sadd.s32 s1, s3;
	s24 =	sadd.s32 s22, s7  }
0xd: {  	s22 =	simm.s32 $0x280;
	s8 =	simm.s32 $0x700;
	s9 =	simm.s32 $0x780  }
0xe: {  	[dreg:$0x5] =	wrdreg s20;
	s5 =	sadd.s32 s5, s0;
	s6 =	sshrl.u32 s6, $0x3  }
0xf: {  	s18 =	ssub.s32 s17, s10;
	s10 =	sadd.s32 s2, s24;
	s26 =	sshrl.u32 s1, $0x3  }
0x10: {  	s17 =	simm.s32 $0x900;
	s24 =	simm.s32 $0x300;
	s1 =	simm.s32 $0x500  }
0x11: {  	s2 =	simm.s32 $0x580;
	s0 =	sadd.s32 s6, s0;
	s5 =	sadd.s32 $0x64200, s5  }
0x12: {  	s23 =	sadd.s32 s7, s19;
	s25 =	smax.u32 s18, $0x1;
	[dreg:$0x9] =	wrdreg s26  }
.Ltmp0:
0x13: {  	s18 =	simm.s32 $0x180;
	s19 =	simm.s32 $0x980;
	(pc) =	sbr.rel .LBB2_1-.Ltmp0, $4  }
0x14: {  	s26 =	simm.s32 $0x380;
	s7 =	simm.s32 $0x680;
	[dreg:$0x4] =	wrdreg s5  }
0x15: {  	s6 =	simm.s32 $0x1;
	[dreg:$0x6] =	wrdreg s23;
	s0 =	sadd.s32 $0x67400, s0  }
0x16: {  	[dreg:$0x8] =	wrdreg s25;
	s23 =	simm.s32 $0xA80;
	s25 =	simm.s32 $0xB00  }
0x17: {  	s5 =	simm.s32 $0x600;
	[dreg:$0x7] =	wrdreg s0;
	s0 =	simm.s32 $0x480  }
.LBB2_4:
0x18: {  	[bflag:$0x0] =	sbarrier.arrive $0xFFFF  }
0x19: {  	s18 =	rddreg [dreg:$0x5]  }
0x1a: {  	s11 =	rddreg [dreg:$0x7]  }
0x1b: {  	s12 =	simm.s32 $0x20;
	s16 =	simm.s32 $0x10;
	s20 =	rddreg [dreg:$0x9]  }
0x1c: {  	[hbm:s11@s12], [sflag:s18] =	dma.strided [spmem:s20@s16], $0x320, s6, $0x10   }
0x1d: {  	s11 =	simm.s32 $0x4  }
0x1e: {  	_ =	swait.ge [sflag:s11], $0x320  }
0x1f: {  	s16 =	rddreg [dreg:$0xa]  }
0x20: {  	s12 =	sadd.s32 $0x1, s16;
	s16 =	rddreg [dreg:$0x8]  }
0x21: {  	p0 =	sne.s32 s12, s16  }
.Ltmp1:
0x22: {  	_ = 	snop;
	(pc) =	sbr.rel @!p0 .LBB2_5-.Ltmp1, $3  }
0x23: {  	_ =	sdelay $0x1  }
0x24: {  	[sflag:s11] =	ssyncset.done $0x0;
	s16 =	simm.s32 $0x4  }
0x25: {  	s20 =	smov.u32 s18;
	s18 =	simm.s32 $0x180;
	[sflag:s16] =	ssyncadd.s32 $0xFFFFFCE0  }
.LBB2_1:
0x26: {  	[dreg:$0xa] =	wrdreg s12  }
0x27: {  	s11 =	rddreg [dreg:$0x4]  }
0x28: {  	s12 =	simm.s32 $0x4;
	s16 =	rddreg [dreg:$0x9]  }
0x29: {  	[spmem:s16], [sflag:s20] =	dma.local [hbm:s11], $0x320  }
0x2a: {  	_ =	swait.ge [sflag:s12], $0x320  }
0x2b: {  	[sflag:s12] =	ssyncset.done $0x0  }
0x2c: {  	[sflag:s12] =	ssyncadd.s32 $0xFFFFFCE0  }
0x2d: {  	s16 =	rddreg [dreg:$0x1]  }
0x2e: {  	[tilespmem:s13], [sflag:$0x4] =	stream.linear.gather [hbm4b:s16+s4], $0x400, $0x38;
	[tilespmem:$0x2500] =	vst v63  }
0x2f: {  	_ =	swait.ge [sflag:s12], $0x400  }
0x30: {  	[sflag:s12] =	ssyncset.done $0x0  }
0x31: {  	[sflag:s12] =	ssyncadd.s32 $0xFFFFFC00  }
0x32: {  	[bflag:$0x0] =	sbarrier.arrive $0xFFFF  }
0x33: {  	s20 =	rddreg [dreg:$0x6]  }
0x34: {  	[tilespmem:s4], [sflag:$0x4] =	stream.linear.gather [hbm4b:s20+s4], $0x400, $0x38;
	[tilespmem:$0x2500] =	vst v63  }
0x35: {  	_ =	swait.ge [sflag:s12], $0x400  }
0x36: {  	[sflag:s12] =	ssyncset.done $0x0  }
0x37: {  	s20 =	simm.s32 $0x200;
	[sflag:s12] =	ssyncadd.s32 $0xFFFFFC00;
	s12 =	simm.s32 $0xFFFFD000  }
.LBB2_2:
0x38: {  	[spmem:s3] =	stream.indirect.scatter.add.f32 [tilespmem:s13], [sflag:$0x3], $0x1, s4, s14, $0xb8;
	[tilespmem:$0x2500] =	vst v63  }
0x39: {  	_ = 	snop  }
0x3a: {  	[spmem:s3] =	stream.indirect.scatter.add.f32 [tilespmem:s15], [sflag:$0x3], $0x1, s14, s14, $0xb8;
	[tilespmem:$0x2500] =	vst v63  }
0x3b: {  	s11 =	simm.s32 $0x100  }
0x3c: {  	[spmem:s3] =	stream.indirect.scatter.add.f32 [tilespmem:s17], [sflag:$0x3], $0x1, s11, s14, $0xb8;
	[tilespmem:$0x2500] =	vst v63  }
0x3d: {  	_ = 	snop  }
0x3e: {  	[spmem:s3] =	stream.indirect.scatter.add.f32 [tilespmem:s19], [sflag:$0x3], $0x1, s18, s14, $0xb8;
	[tilespmem:$0x2500] =	vst v63  }
0x3f: {  	_ = 	snop  }
0x40: {  	[spmem:s3] =	stream.indirect.scatter.add.f32 [tilespmem:s21], [sflag:$0x3], $0x1, s20, s14, $0xb8;
	[tilespmem:$0x2500] =	vst v63  }
0x41: {  	_ = 	snop  }
0x42: {  	[spmem:s3] =	stream.indirect.scatter.add.f32 [tilespmem:s23], [sflag:$0x3], $0x1, s22, s14, $0xb8;
	[tilespmem:$0x2500] =	vst v63  }
0x43: {  	_ = 	snop  }
0x44: {  	[spmem:s3] =	stream.indirect.scatter.add.f32 [tilespmem:s25], [sflag:$0x3], $0x1, s24, s14, $0xb8;
	[tilespmem:$0x2500] =	vst v63  }
0x45: {  	s16 =	sadd.s32 s12, s10  }
0x46: {  	[spmem:s3] =	stream.indirect.scatter.add.f32 [tilespmem:s28], [sflag:$0x3], $0x1, s26, s14, $0xb8;
	[tilespmem:$0x2500] =	vst v63  }
0x47: {  	s11 =	sadd.s32 $0x3080, s16  }
0x48: {  	[tilespmem:s29], [sflag:$0x2] =	stream.linear.gather [hbm4b:s11+s4], $0x400, $0x38;
	[tilespmem:$0x2500] =	vst v63  }
0x49: {  	_ =	swait.ge [sflag:s30], $0x80  }
0x4a: {  	[sflag:s30] =	ssyncset.done $0x0  }
0x4b: {  	[sflag:s30] =	ssyncadd.s32 $0xFFFFFF80  }
0x4c: {  	_ =	swait.ge [sflag:s30], $0x80  }
0x4d: {  	[sflag:s30] =	ssyncset.done $0x0  }
0x4e: {  	[sflag:s30] =	ssyncadd.s32 $0xFFFFFF80  }
0x4f: {  	_ =	swait.ge [sflag:s30], $0x80  }
0x50: {  	[sflag:s30] =	ssyncset.done $0x0  }
0x51: {  	[sflag:s30] =	ssyncadd.s32 $0xFFFFFF80  }
0x52: {  	_ =	swait.ge [sflag:s30], $0x80  }
0x53: {  	[sflag:s30] =	ssyncset.done $0x0  }
0x54: {  	[sflag:s30] =	ssyncadd.s32 $0xFFFFFF80  }
0x55: {  	_ =	swait.ge [sflag:s30], $0x80  }
0x56: {  	[sflag:s30] =	ssyncset.done $0x0  }
0x57: {  	[sflag:s30] =	ssyncadd.s32 $0xFFFFFF80  }
0x58: {  	_ =	swait.ge [sflag:s30], $0x80  }
0x59: {  	[sflag:s30] =	ssyncset.done $0x0  }
0x5a: {  	[sflag:s30] =	ssyncadd.s32 $0xFFFFFF80  }
0x5b: {  	_ =	swait.ge [sflag:s30], $0x80  }
0x5c: {  	[sflag:s30] =	ssyncset.done $0x0  }
0x5d: {  	[sflag:s30] =	ssyncadd.s32 $0xFFFFFF80  }
0x5e: {  	_ =	swait.ge [sflag:s30], $0x80  }
0x5f: {  	[sflag:s30] =	ssyncset.done $0x0  }
0x60: {  	[sflag:s30] =	ssyncadd.s32 $0xFFFFFF80  }
0x61: {  	_ =	swait.ge [sflag:s31], $0x400  }
0x62: {  	[sflag:s31] =	ssyncset.done $0x0  }
0x63: {  	[sflag:s31] =	ssyncadd.s32 $0xFFFFFC00  }
0x64: {  	[spmem:s3] =	stream.indirect.scatter.add.f32 [tilespmem:s13], [sflag:$0x3], $0x1, s29, s14, $0xb8;
	[tilespmem:$0x2500] =	vst v63  }
0x65: {  	_ = 	snop  }
0x66: {  	[spmem:s3] =	stream.indirect.scatter.add.f32 [tilespmem:s15], [sflag:$0x3], $0x1, s0, s14, $0xb8;
	[tilespmem:$0x2500] =	vst v63  }
0x67: {  	_ = 	snop  }
0x68: {  	[spmem:s3] =	stream.indirect.scatter.add.f32 [tilespmem:s17], [sflag:$0x3], $0x1, s1, s14, $0xb8;
	[tilespmem:$0x2500] =	vst v63  }
0x69: {  	_ = 	snop  }
0x6a: {  	[spmem:s3] =	stream.indirect.scatter.add.f32 [tilespmem:s19], [sflag:$0x3], $0x1, s2, s14, $0xb8;
	[tilespmem:$0x2500] =	vst v63  }
0x6b: {  	_ = 	snop  }
0x6c: {  	[spmem:s3] =	stream.indirect.scatter.add.f32 [tilespmem:s21], [sflag:$0x3], $0x1, s5, s14, $0xb8;
	[tilespmem:$0x2500] =	vst v63  }
0x6d: {  	_ = 	snop  }
0x6e: {  	[spmem:s3] =	stream.indirect.scatter.add.f32 [tilespmem:s23], [sflag:$0x3], $0x1, s7, s14, $0xb8;
	[tilespmem:$0x2500] =	vst v63  }
0x6f: {  	p0 =	seq.s32 s12, $0x0  }
0x70: {  	[spmem:s3] =	stream.indirect.scatter.add.f32 [tilespmem:s25], [sflag:$0x3], $0x1, s8, s14, $0xb8;
	[tilespmem:$0x2500] =	vst v63  }
0x71: {  	s11 =	sadd.s32 @!p0 s12, s10  }
0x72: {  	[spmem:s3] =	stream.indirect.scatter.add.f32 [tilespmem:s28], [sflag:$0x3], $0x1, s9, s14, $0xb8;
	[tilespmem:$0x2500] =	vst v63  }
0x73: {  	s16 =	simm.s32 @!p0 $0x0;
	s11 =	sadd.s32 @!p0 $0x3100, s11  }
0x74: {  	[tilespmem:s16], [sflag:$0x1] =	stream.linear.gather @!p0 [hbm4b:s11+s16], $0x400, $0x38;
	[tilespmem:$0x2500] =	vst v63  }
0x75: {  	_ =	swait.ge [sflag:s30], $0x80  }
0x76: {  	[sflag:s30] =	ssyncset.done $0x0  }
0x77: {  	[sflag:s30] =	ssyncadd.s32 $0xFFFFFF80  }
0x78: {  	_ =	swait.ge [sflag:s30], $0x80  }
0x79: {  	[sflag:s30] =	ssyncset.done $0x0  }
0x7a: {  	[sflag:s30] =	ssyncadd.s32 $0xFFFFFF80  }
0x7b: {  	_ =	swait.ge [sflag:s30], $0x80  }
0x7c: {  	[sflag:s30] =	ssyncset.done $0x0  }
0x7d: {  	[sflag:s30] =	ssyncadd.s32 $0xFFFFFF80  }
0x7e: {  	_ =	swait.ge [sflag:s30], $0x80  }
0x7f: {  	[sflag:s30] =	ssyncset.done $0x0  }
0x80: {  	[sflag:s30] =	ssyncadd.s32 $0xFFFFFF80  }
0x81: {  	_ =	swait.ge [sflag:s30], $0x80  }
0x82: {  	[sflag:s30] =	ssyncset.done $0x0  }
0x83: {  	[sflag:s30] =	ssyncadd.s32 $0xFFFFFF80  }
0x84: {  	_ =	swait.ge [sflag:s30], $0x80  }
0x85: {  	[sflag:s30] =	ssyncset.done $0x0  }
0x86: {  	[sflag:s30] =	ssyncadd.s32 $0xFFFFFF80  }
0x87: {  	_ =	swait.ge [sflag:s30], $0x80  }
.Ltmp2:
0x88: {  	[sflag:s30] =	ssyncset.done $0x0;
	(pc) =	sbr.rel @p0 .LBB2_4-.Ltmp2, $4  }
0x89: {  	[sflag:s30] =	ssyncadd.s32 $0xFFFFFF80  }
0x8a: {  	_ =	swait.ge [sflag:s30], $0x80  }
0x8b: {  	[sflag:s30] =	ssyncset.done $0x0  }
0x8c: {  	[sflag:s30] =	ssyncadd.s32 $0xFFFFFF80  }
.Ltmp3:
0x8d: {  	(pc) =	sbr.rel .LBB2_2-.Ltmp3, $4  }
0x8e: {  	_ = 	snop  }
0x8f: {  	_ =	swait.ge [sflag:s6], $0x400  }
0x90: {  	[sflag:s6] =	ssyncset.done $0x0  }
0x91: {  	s12 =	sadd.s32 $0x100, s12;
	[sflag:s6] =	ssyncadd.s32 $0xFFFFFC00  }
.LBB2_5:
0x92: {  	_ =	sfence.sel $0x180000  }
0x93: {  	[bflag:$0x0] =	sbarrier.arrive $0xFFFF  }
0x94: {  	_ =	strace $0x90000047  }
0x95: {  	s0 =	stileid.u32;
	[bflag:$0x2] =	sbarrier.arrive $0xFFFF  }
0x96: {  	p0 =	sne.s32 s0, $0x0;
	s0 =	rddreg [dreg:$0x3]  }
0x97: {  	s0 =	sadd.s32 @!p0 $0x100000, s0  }
0x98: {  	[sflag:s0] =	ssyncadd.tile.s32 @!p0 $0x1;
	_ =	shalt  }
.Lfunc_end2:
_tile_overlayer_lowered:
.L_overlay_start_2:
0x99: {  	(tag) =	ssettag $0x2  }
0x9a: {  	s0 =	rddreg [dreg:$0x0];
	s2 =	stileid.u32  }
0x9b: {  	s1 =	rddreg [dreg:$0x1];
	p0 =	sne.s32 s2, $0x0  }
0x9c: {  	s3 =	rddreg [dreg:$0x2];
	[bflag:$0x3] =	sbarrier.arrive $0xFFFF;
	s2 =	simm.s32 @!p0 $0x1C04  }
0x9d: {  	[timem:s3], [sflag:s2] =	dma.local @!p0 [hbm:s0], s1  }
0x9e: {  	s0 =	simm.s32 @!p0 $0x4  }
0x9f: {  	_ =	swait.ge @!p0 [sflag:s0], s1  }
0xa0: {  	s1 =	ssub.s32 @!p0 $0x0, s1;
	[sflag:s0] =	ssyncset.done @!p0 $0x0  }
0xa1: {  	[sflag:s0] =	ssyncadd.s32 @!p0 s1  }
0xa2: {  	[bflag:$0x3] =	sbarrier.arrive $0xFFFF  }
0xa3: {  	_ =	shalt  }

</sc_bundles>
